<compile_context>
chip_gen: v7x
topology: tpu7x:2x2x1
jax: 0.10.2.dev20260603
libtpu: 0.0.44.dev20260713+nightly
codegen_flags: <defaults>
</compile_context>

<pallas_src>
import functools

import jax
import jax.numpy as jnp
from jax import lax
from jax.experimental import pallas as pl
from jax.experimental.pallas import tpu as pltpu
from jax.experimental.pallas import tpu_sc as plsc

_N = 1000000
_D = 16
_H = 64
_BLK = 4000

_NB = _N // 16
_CT_PAD = 65536
_CV = 50
_CQ = _CV * 16
_NCHUNK = _N // _CQ
_NW = 32
_UNROLL = 5


def _weights_body(x_ref, w1_ref, b1_ref, w2_ref, b2_ref, o_ref):
    x = x_ref[...]
    h = jnp.tanh(jnp.dot(x, w1_ref[...], preferred_element_type=jnp.float32)
                 + b1_ref[...])
    o_ref[...] = jnp.dot(h, w2_ref[...],
                         preferred_element_type=jnp.float32) + b2_ref[...]


def _sc_body(ct_hbm, cdf2_hbm, u_hbm, x_hbm, out_hbm,
             ct_v, u_v, jq_v, fine_v, p_v, rows_v, sem):
    cid = lax.axis_index("c")
    sid = lax.axis_index("s")
    wid = sid * 2 + cid
    c_lo = (_NCHUNK * wid) // _NW
    c_hi = (_NCHUNK * (wid + 1)) // _NW

    pltpu.sync_copy(ct_hbm, ct_v)
    iota = lax.iota(jnp.int32, 16)

    def chunk_body(c, carry):
        qbase = c * _CQ
        pltpu.sync_copy(u_hbm.at[pl.ds(qbase, _CQ)], u_v)

        def coarse(ii, carry2):
            i0 = ii * _UNROLL
            u16s = [u_v[pl.ds((i0 + j) * 16, 16)] for j in range(_UNROLL)]

            def lvl_body(l, bases):
                step = jnp.int32(32768) >> l
                cvals = [plsc.load_gather(ct_v, [b + (step - 1)])
                         for b in bases]
                return tuple(
                    b + jnp.where(c < u, step, 0)
                    for b, c, u in zip(bases, cvals, u16s))

            zero = jnp.zeros(16, jnp.int32)
            bases = lax.fori_loop(0, 16, lvl_body, (zero,) * _UNROLL)
            for j in range(_UNROLL):
                jq_v[pl.ds((i0 + j) * 16, 16)] = jnp.minimum(bases[j], _NB - 1)
            return carry2

        lax.fori_loop(0, _CV // _UNROLL, coarse, 0)
        pltpu.async_copy(cdf2_hbm.at[jq_v], fine_v, sem).wait()

        def fine(ii, carry2):
            i0 = ii * _UNROLL
            u16s = [u_v[pl.ds((i0 + j) * 16, 16)] for j in range(_UNROLL)]
            rows = [(i0 + j) * 16 + iota for j in range(_UNROLL)]

            def k_body(k, cnts):
                col = jnp.zeros(16, jnp.int32) + k
                vals = [plsc.load_gather(fine_v, [r, col]) for r in rows]
                return tuple(
                    cn + jnp.where(v < u, 1, 0)
                    for cn, v, u in zip(cnts, vals, u16s))

            zero = jnp.zeros(16, jnp.int32)
            cnts = lax.fori_loop(0, 16, k_body, (zero,) * _UNROLL)
            for j in range(_UNROLL):
                jq16 = jq_v[pl.ds((i0 + j) * 16, 16)]
                p_v[pl.ds((i0 + j) * 16, 16)] = jnp.minimum(
                    jq16 * 16 + cnts[j], _N - 1)
            return carry2

        lax.fori_loop(0, _CV // _UNROLL, fine, 0)
        pltpu.async_copy(x_hbm.at[p_v], rows_v, sem).wait()
        pltpu.sync_copy(rows_v, out_hbm.at[pl.ds(qbase, _CQ)])
        return carry

    lax.fori_loop(c_lo, c_hi, chunk_body, 0)


_sc_sample = functools.partial(
    pl.kernel,
    mesh=plsc.VectorSubcoreMesh(core_axis_name="c", subcore_axis_name="s"),
    out_type=jax.ShapeDtypeStruct((_N, _D), jnp.float32),
    compiler_params=pltpu.CompilerParams(
        needs_layout_passes=False, use_tc_tiling_on_sc=False),
    scratch_types=[
        pltpu.VMEM((_CT_PAD,), jnp.float32),
        pltpu.VMEM((_CQ,), jnp.float32),
        pltpu.VMEM((_CQ,), jnp.int32),
        pltpu.VMEM((_CQ, 16), jnp.float32),
        pltpu.VMEM((_CQ,), jnp.int32),
        pltpu.VMEM((_CQ, _D), jnp.float32),
        pltpu.SemaphoreType.DMA,
    ],
)(_sc_body)


def kernel(proposed_samples, W1, b1, W2, b2, u):
    N, _ = proposed_samples.shape
    h = jnp.tanh(proposed_samples @ W1 + b1)
    logits = (h @ W2 + b2).squeeze(-1)
    w = jnp.exp(logits)
    normalized = w / jnp.sum(w)
    cdf = jnp.cumsum(normalized)
    cdf2 = cdf.reshape(_NB, 16)
    ct = jnp.concatenate(
        [cdf2[:, 15], jnp.full((_CT_PAD - _NB,), 2.0, jnp.float32)])
    return _sc_sample(ct, cdf2, u, proposed_samples)

# --- scband reference (transcript-rebuilt; emitter-appended) ---
"""Pipeline reference for scband-binary-classifier-sampler-1228360647148 (READ-ONLY COPY).

The authoritative reference and input builder live on the scoring server;
editing this copy changes nothing except your own understanding.
"""

import jax, jax.numpy as jnp
import numpy as np

N, D, H = 1000000, 16, 64

def setup_inputs(seed: int = 0) -> dict:
    key = jax.random.key(seed)
    k1, k2, k3, k4 = jax.random.split(key, 4)
    proposed_samples = jax.random.normal(k1, (N, D), dtype=jnp.float32)
    W1 = jax.random.normal(k2, (D, H), dtype=jnp.float32) * 0.1
    b1 = jnp.zeros((H,), dtype=jnp.float32)
    W2 = jax.random.normal(k3, (H, 1), dtype=jnp.float32) * 0.1
    b2 = jnp.zeros((1,), dtype=jnp.float32)
    u = jax.random.uniform(k4, (N,), dtype=jnp.float32)
    return {"proposed_samples": proposed_samples, "W1": W1, "b1": b1, "W2": W2, "b2": b2, "u": u}

def logit_r(x, W1, b1, W2, b2):
    h = jnp.tanh(x @ W1 + b1)
    return x @ W1 @ W2 * 0.0 + (h @ W2 + b2)  # keep faithful 2-layer MLP; see note below

def reference(proposed_samples, W1, b1, W2, b2, u):
    # SIS_sampling: self-normalized importance resampling
    h = jnp.tanh(proposed_samples @ W1 + b1)
    logits = (h @ W2 + b2).squeeze(-1)                      # binary_classifier.logit_r(x).squeeze(-1)
    unormalized_weights = jnp.exp(logits)
    normalized_weights = unormalized_weights / jnp.sum(unormalized_weights)
    # Categorical(normalized_weights).sample([num_samples]) via inverse-CDF with pre-drawn uniforms
    cdf = jnp.cumsum(normalized_weights)
    cat = jnp.searchsorted(cdf, u)
    cat = jnp.clip(cat, 0, proposed_samples.shape[0] - 1)
    return proposed_samples[cat]

if __name__ == "__main__":
    import jax
    _d = setup_inputs()
    print(jax.jit(kernel)(*tuple(_d.values())))

</pallas_src>

<mosaic_0001>
#map = affine_map<(d0, d1) -> (0)>
#map1 = affine_map<(d0, d1) -> (0, 0)>
module attributes {stable_mosaic.version = 14 : i64} {
  func.func @_sc_body(%arg0: i32, %arg1: i32, %arg2: memref<65536xf32, #tpu.memory_space<hbm>>, %arg3: memref<62500x16xf32, #tpu.memory_space<hbm>>, %arg4: memref<1000000xf32, #tpu.memory_space<hbm>>, %arg5: memref<1000000x16xf32, #tpu.memory_space<hbm>>, %arg6: memref<1000000x16xf32, #tpu.memory_space<hbm>>, %arg7: memref<65536xf32, #tpu.memory_space<vmem>>, %arg8: memref<800xf32, #tpu.memory_space<vmem>>, %arg9: memref<800xi32, #tpu.memory_space<vmem>>, %arg10: memref<800x16xf32, #tpu.memory_space<vmem>>, %arg11: memref<800xi32, #tpu.memory_space<vmem>>, %arg12: memref<800x16xf32, #tpu.memory_space<vmem>>, %arg13: memref<!tpu.dma_semaphore, #tpu.memory_space<semaphore_mem>>) attributes {dimension_semantics = [#tpu.dimension_semantics<core_parallel>, #tpu.dimension_semantics<subcore_parallel>], iteration_bounds = array<i64: 2, 16>, scalar_prefetch = 0 : i64, scratch_operands = 7 : i64, tpu.core_type = #tpu.core_type<sc_vector_subcore>, window_params = [{transform_indices = #map}, {transform_indices = #map1}, {transform_indices = #map}, {transform_indices = #map1}, {transform_indices = #map1}]} {
    %mul3A = arith.constant 2 : i32
    %mul3A_0 = arith.muli %arg1, %mul3A : i32
    %add3A = arith.addi %mul3A_0, %arg0 : i32
    %mul3A_1 = arith.constant 1250 : i32
    %mul3A_2 = arith.muli %mul3A_1, %add3A : i32
    %jit3A = arith.constant 32 : i32
    %div3A = arith.divsi %mul3A_2, %jit3A : i32
    %sign3A = arith.constant 0 : i32
    %sign3A_3 = arith.cmpi sgt, %mul3A_2, %sign3A : i32
    %sign3A_4 = arith.extui %sign3A_3 : i1 to i32
    %sign3A_5 = arith.constant 0 : i32
    %sign3A_6 = arith.cmpi slt, %mul3A_2, %sign3A_5 : i32
    %sign3A_7 = arith.extui %sign3A_6 : i1 to i32
    %sign3A_8 = arith.subi %sign3A_4, %sign3A_7 : i32
    %sign3A_9 = arith.constant 0 : i32
    %sign3A_10 = arith.cmpi sgt, %jit3A, %sign3A_9 : i32
    %sign3A_11 = arith.extui %sign3A_10 : i1 to i32
    %sign3A_12 = arith.constant 0 : i32
    %sign3A_13 = arith.cmpi slt, %jit3A, %sign3A_12 : i32
    %sign3A_14 = arith.extui %sign3A_13 : i1 to i32
    %sign3A_15 = arith.subi %sign3A_11, %sign3A_14 : i32
    %ne3A = arith.cmpi ne, %sign3A_8, %sign3A_15 : i32
    %rem3A = arith.remsi %mul3A_2, %jit3A : i32
    %ne3A_16 = arith.constant 0 : i32
    %ne3A_17 = arith.cmpi ne, %rem3A, %ne3A_16 : i32
    %and3A = arith.andi %ne3A, %ne3A_17 : i1
    %sub3A = arith.constant 1 : i32
    %sub3A_18 = arith.subi %div3A, %sub3A : i32
    %select_n3A = arith.select %and3A, %sub3A_18, %div3A : i32
    %add3A_19 = arith.constant 1 : i32
    %add3A_20 = arith.addi %add3A, %add3A_19 : i32
    %mul3A_21 = arith.constant 1250 : i32
    %mul3A_22 = arith.muli %mul3A_21, %add3A_20 : i32
    %jit3A_23 = arith.constant 32 : i32
    %div3A_24 = arith.divsi %mul3A_22, %jit3A_23 : i32
    %sign3A_25 = arith.constant 0 : i32
    %sign3A_26 = arith.cmpi sgt, %mul3A_22, %sign3A_25 : i32
    %sign3A_27 = arith.extui %sign3A_26 : i1 to i32
    %sign3A_28 = arith.constant 0 : i32
    %sign3A_29 = arith.cmpi slt, %mul3A_22, %sign3A_28 : i32
    %sign3A_30 = arith.extui %sign3A_29 : i1 to i32
    %sign3A_31 = arith.subi %sign3A_27, %sign3A_30 : i32
    %sign3A_32 = arith.constant 0 : i32
    %sign3A_33 = arith.cmpi sgt, %jit3A_23, %sign3A_32 : i32
    %sign3A_34 = arith.extui %sign3A_33 : i1 to i32
    %sign3A_35 = arith.constant 0 : i32
    %sign3A_36 = arith.cmpi slt, %jit3A_23, %sign3A_35 : i32
    %sign3A_37 = arith.extui %sign3A_36 : i1 to i32
    %sign3A_38 = arith.subi %sign3A_34, %sign3A_37 : i32
    %ne3A_39 = arith.cmpi ne, %sign3A_31, %sign3A_38 : i32
    %rem3A_40 = arith.remsi %mul3A_22, %jit3A_23 : i32
    %ne3A_41 = arith.constant 0 : i32
    %ne3A_42 = arith.cmpi ne, %rem3A_40, %ne3A_41 : i32
    %and3A_43 = arith.andi %ne3A_39, %ne3A_42 : i1
    %sub3A_44 = arith.constant 1 : i32
    %sub3A_45 = arith.subi %div3A_24, %sub3A_44 : i32
    %select_n3A_46 = arith.select %and3A_43, %sub3A_45, %div3A_24 : i32
    "tpu.region"() ({
      %run_scoped3A = tpu.sem_alloc : memref<!tpu.dma_semaphore, #tpu.memory_space<semaphore_mem>>
      tpu.enqueue_dma source(%arg2 : memref<65536xf32, #tpu.memory_space<hbm>>) target(%arg7 : memref<65536xf32, #tpu.memory_space<vmem>>) target_semaphore(%run_scoped3A : memref<!tpu.dma_semaphore, #tpu.memory_space<semaphore_mem>>)
      tpu.wait_dma2 semaphore(%run_scoped3A : memref<!tpu.dma_semaphore, #tpu.memory_space<semaphore_mem>>) src(%arg2 : memref<65536xf32, #tpu.memory_space<hbm>>) dst(%arg7 : memref<65536xf32, #tpu.memory_space<vmem>>)
      tpu.yield
    }) : () -> ()
    %iota3A = tpu.iota {dimensions = array<i32: 0>} : vector<16xi32>
    %while3A = arith.constant 0 : i32
    %while3A_47 = arith.subi %select_n3A_46, %select_n3A : i32
    %while3A_48 = arith.addi %select_n3A, %while3A_47 : i32
    %while3A_49 = arith.constant 1 : i32
    %while3A_50 = arith.divsi %while3A_47, %while3A_49 : i32
    %while3A_51 = arith.muli %while3A_50, %while3A_49 : i32
    %while3A_52 = arith.addi %select_n3A, %while3A_51 : i32
    %while3A_53 = arith.constant 1 : i32
    scf.for %while3A_55 = %select_n3A to %while3A_52 step %while3A_53  : i32 {
      %mul3A_56 = arith.constant 800 : i32
      %mul3A_57 = arith.muli %while3A_55, %mul3A_56 : i32
      "tpu.region"() ({
        %run_scoped3A = tpu.sem_alloc : memref<!tpu.dma_semaphore, #tpu.memory_space<semaphore_mem>>
        %dma_start3A_79 = tpu.memref_slice %arg4[%mul3A_57] : memref<1000000xf32, #tpu.memory_space<hbm>> -> memref<800xf32, #tpu.memory_space<hbm>>
        %dma_start3A_80 = tpu.memref_slice %arg4[%mul3A_57] : memref<1000000xf32, #tpu.memory_space<hbm>> -> memref<800xf32, #tpu.memory_space<hbm>>
        tpu.enqueue_dma source(%dma_start3A_80 : memref<800xf32, #tpu.memory_space<hbm>>) target(%arg8 : memref<800xf32, #tpu.memory_space<vmem>>) target_semaphore(%run_scoped3A : memref<!tpu.dma_semaphore, #tpu.memory_space<semaphore_mem>>)
        %dma_wait3A_81 = tpu.memref_slice %arg4[%mul3A_57] : memref<1000000xf32, #tpu.memory_space<hbm>> -> memref<800xf32, #tpu.memory_space<hbm>>
        %dma_wait3A_82 = tpu.memref_slice %arg4[%mul3A_57] : memref<1000000xf32, #tpu.memory_space<hbm>> -> memref<800xf32, #tpu.memory_space<hbm>>
        tpu.wait_dma2 semaphore(%run_scoped3A : memref<!tpu.dma_semaphore, #tpu.memory_space<semaphore_mem>>) src(%dma_wait3A_82 : memref<800xf32, #tpu.memory_space<hbm>>) dst(%arg8 : memref<800xf32, #tpu.memory_space<vmem>>)
        tpu.yield
      }) : () -> ()
      %scan3A = arith.constant 0 : i32
      %scan3A_58 = arith.constant 0 : i32
      %scan3A_59 = arith.constant 10 : i32
      %scan3A_60 = arith.addi %scan3A_58, %scan3A_59 : i32
      %scan3A_61 = arith.constant 1 : i32
      scf.for %scan3A_79 = %scan3A_58 to %scan3A_60 step %scan3A_61  : i32 {
        %mul3A_80 = arith.constant 5 : i32
        %mul3A_81 = arith.muli %scan3A_79, %mul3A_80 : i32
        %add3A_82 = arith.constant 0 : i32
        %add3A_83 = arith.addi %mul3A_81, %add3A_82 : i32
        %mul3A_84 = arith.constant 16 : i32
        %mul3A_85 = arith.muli %add3A_83, %mul3A_84 : i32
        %get3A = arith.index_cast %mul3A_85 : i32 to index
        %get3A_86 = tpu.vector_load %arg8[%get3A] {strides = array<i32>} : memref<800xf32, #tpu.memory_space<vmem>>, vector<16xf32>,
        %add3A_87 = arith.constant 1 : i32
        %add3A_88 = arith.addi %mul3A_81, %add3A_87 : i32
        %mul3A_89 = arith.constant 16 : i32
        %mul3A_90 = arith.muli %add3A_88, %mul3A_89 : i32
        %get3A_91 = arith.index_cast %mul3A_90 : i32 to index
        %get3A_92 = tpu.vector_load %arg8[%get3A_91] {strides = array<i32>} : memref<800xf32, #tpu.memory_space<vmem>>, vector<16xf32>,
        %add3A_93 = arith.constant 2 : i32
        %add3A_94 = arith.addi %mul3A_81, %add3A_93 : i32
        %mul3A_95 = arith.constant 16 : i32
        %mul3A_96 = arith.muli %add3A_94, %mul3A_95 : i32
        %get3A_97 = arith.index_cast %mul3A_96 : i32 to index
        %get3A_98 = tpu.vector_load %arg8[%get3A_97] {strides = array<i32>} : memref<800xf32, #tpu.memory_space<vmem>>, vector<16xf32>,
        %add3A_99 = arith.constant 3 : i32
        %add3A_100 = arith.addi %mul3A_81, %add3A_99 : i32
        %mul3A_101 = arith.constant 16 : i32
        %mul3A_102 = arith.muli %add3A_100, %mul3A_101 : i32
        %get3A_103 = arith.index_cast %mul3A_102 : i32 to index
        %get3A_104 = tpu.vector_load %arg8[%get3A_103] {strides = array<i32>} : memref<800xf32, #tpu.memory_space<vmem>>, vector<16xf32>,
        %add3A_105 = arith.constant 4 : i32
        %add3A_106 = arith.addi %mul3A_81, %add3A_105 : i32
        %mul3A_107 = arith.constant 16 : i32
        %mul3A_108 = arith.muli %add3A_106, %mul3A_107 : i32
        %get3A_109 = arith.index_cast %mul3A_108 : i32 to index
        %get3A_110 = tpu.vector_load %arg8[%get3A_109] {strides = array<i32>} : memref<800xf32, #tpu.memory_space<vmem>>, vector<16xf32>,
        %broadcast_in_dim3A = arith.constant 0 : i32
        %broadcast_in_dim3A_111 = vector.broadcast %broadcast_in_dim3A : i32 to vector<16xi32>
        %scan3A_112 = arith.constant 0 : i32
        %scan3A_113 = arith.constant 16 : i32
        %scan3A_114 = arith.addi %scan3A_112, %scan3A_113 : i32
        %scan3A_115 = arith.constant 1 : i32
        %scan3A_116:5 = scf.for %scan3A_161 = %scan3A_112 to %scan3A_114 step %scan3A_115 iter_args(%scan3A_162 = %broadcast_in_dim3A_111, %scan3A_163 = %broadcast_in_dim3A_111, %scan3A_164 = %broadcast_in_dim3A_111, %scan3A_165 = %broadcast_in_dim3A_111, %scan3A_166 = %broadcast_in_dim3A_111) -> (vector<16xi32>, vector<16xi32>, vector<16xi32>, vector<16xi32>, vector<16xi32>)  : i32 {
          %shift_right_arithmetic3A = arith.constant 32768 : i32
          %shift_right_arithmetic3A_167 = arith.shrsi %shift_right_arithmetic3A, %scan3A_161 : i32
          %sub3A_168 = arith.constant 1 : i32
          %sub3A_169 = arith.subi %shift_right_arithmetic3A_167, %sub3A_168 : i32
          %add3A_170 = vector.broadcast %sub3A_169 : i32 to vector<16xi32>
          %add3A_171 = arith.addi %scan3A_162, %add3A_170 : vector<16xi32>
          %gather3A = tpu.vector_load_idx %arg7[%add3A_171] : memref<65536xf32, #tpu.memory_space<vmem>>[vector<16xi32>], vector<16xf32>,
          %sub3A_172 = arith.constant 1 : i32
          %sub3A_173 = arith.subi %shift_right_arithmetic3A_167, %sub3A_172 : i32
          %add3A_174 = vector.broadcast %sub3A_173 : i32 to vector<16xi32>
          %add3A_175 = arith.addi %scan3A_163, %add3A_174 : vector<16xi32>
          %gather3A_176 = tpu.vector_load_idx %arg7[%add3A_175] : memref<65536xf32, #tpu.memory_space<vmem>>[vector<16xi32>], vector<16xf32>,
          %sub3A_177 = arith.constant 1 : i32
          %sub3A_178 = arith.subi %shift_right_arithmetic3A_167, %sub3A_177 : i32
          %add3A_179 = vector.broadcast %sub3A_178 : i32 to vector<16xi32>
          %add3A_180 = arith.addi %scan3A_164, %add3A_179 : vector<16xi32>
          %gather3A_181 = tpu.vector_load_idx %arg7[%add3A_180] : memref<65536xf32, #tpu.memory_space<vmem>>[vector<16xi32>], vector<16xf32>,
          %sub3A_182 = arith.constant 1 : i32
          %sub3A_183 = arith.subi %shift_right_arithmetic3A_167, %sub3A_182 : i32
          %add3A_184 = vector.broadcast %sub3A_183 : i32 to vector<16xi32>
          %add3A_185 = arith.addi %scan3A_165, %add3A_184 : vector<16xi32>
          %gather3A_186 = tpu.vector_load_idx %arg7[%add3A_185] : memref<65536xf32, #tpu.memory_space<vmem>>[vector<16xi32>], vector<16xf32>,
          %sub3A_187 = arith.constant 1 : i32
          %sub3A_188 = arith.subi %shift_right_arithmetic3A_167, %sub3A_187 : i32
          %add3A_189 = vector.broadcast %sub3A_188 : i32 to vector<16xi32>
          %add3A_190 = arith.addi %scan3A_166, %add3A_189 : vector<16xi32>
          %gather3A_191 = tpu.vector_load_idx %arg7[%add3A_190] : memref<65536xf32, #tpu.memory_space<vmem>>[vector<16xi32>], vector<16xf32>,
          %lt3A = arith.cmpf olt, %gather3A, %get3A_86 : vector<16xf32>
          %jit3A_192 = arith.constant 0 : i32
          %broadcast_in_dim3A_193 = vector.broadcast %shift_right_arithmetic3A_167 : i32 to vector<16xi32>
          %broadcast_in_dim3A_194 = vector.broadcast %jit3A_192 : i32 to vector<16xi32>
          %select_n3A_195 = arith.select %lt3A, %broadcast_in_dim3A_193, %broadcast_in_dim3A_194 : vector<16xi1>, vector<16xi32>
          %add3A_196 = arith.addi %scan3A_162, %select_n3A_195 : vector<16xi32>
          %lt3A_197 = arith.cmpf olt, %gather3A_176, %get3A_92 : vector<16xf32>
          %jit3A_198 = arith.constant 0 : i32
          %broadcast_in_dim3A_199 = vector.broadcast %shift_right_arithmetic3A_167 : i32 to vector<16xi32>
          %broadcast_in_dim3A_200 = vector.broadcast %jit3A_198 : i32 to vector<16xi32>
          %select_n3A_201 = arith.select %lt3A_197, %broadcast_in_dim3A_199, %broadcast_in_dim3A_200 : vector<16xi1>, vector<16xi32>
          %add3A_202 = arith.addi %scan3A_163, %select_n3A_201 : vector<16xi32>
          %lt3A_203 = arith.cmpf olt, %gather3A_181, %get3A_98 : vector<16xf32>
          %jit3A_204 = arith.constant 0 : i32
          %broadcast_in_dim3A_205 = vector.broadcast %shift_right_arithmetic3A_167 : i32 to vector<16xi32>
          %broadcast_in_dim3A_206 = vector.broadcast %jit3A_204 : i32 to vector<16xi32>
          %select_n3A_207 = arith.select %lt3A_203, %broadcast_in_dim3A_205, %broadcast_in_dim3A_206 : vector<16xi1>, vector<16xi32>
          %add3A_208 = arith.addi %scan3A_164, %select_n3A_207 : vector<16xi32>
          %lt3A_209 = arith.cmpf olt, %gather3A_186, %get3A_104 : vector<16xf32>
          %jit3A_210 = arith.constant 0 : i32
          %broadcast_in_dim3A_211 = vector.broadcast %shift_right_arithmetic3A_167 : i32 to vector<16xi32>
          %broadcast_in_dim3A_212 = vector.broadcast %jit3A_210 : i32 to vector<16xi32>
          %select_n3A_213 = arith.select %lt3A_209, %broadcast_in_dim3A_211, %broadcast_in_dim3A_212 : vector<16xi1>, vector<16xi32>
          %add3A_214 = arith.addi %scan3A_165, %select_n3A_213 : vector<16xi32>
          %lt3A_215 = arith.cmpf olt, %gather3A_191, %get3A_110 : vector<16xf32>
          %jit3A_216 = arith.constant 0 : i32
          %broadcast_in_dim3A_217 = vector.broadcast %shift_right_arithmetic3A_167 : i32 to vector<16xi32>
          %broadcast_in_dim3A_218 = vector.broadcast %jit3A_216 : i32 to vector<16xi32>
          %select_n3A_219 = arith.select %lt3A_215, %broadcast_in_dim3A_217, %broadcast_in_dim3A_218 : vector<16xi1>, vector<16xi32>
          %add3A_220 = arith.addi %scan3A_166, %select_n3A_219 : vector<16xi32>
          scf.yield %add3A_196, %add3A_202, %add3A_208, %add3A_214, %add3A_220 : vector<16xi32>, vector<16xi32>, vector<16xi32>, vector<16xi32>, vector<16xi32>
        }
        %scan3A_117 = arith.constant 16 : i32
        %min3A = arith.constant 62499 : i32
        %min3A_118 = vector.broadcast %min3A : i32 to vector<16xi32>
        %min3A_119 = arith.minsi %scan3A_116#0, %min3A_118 : vector<16xi32>
        %add3A_120 = arith.constant 0 : i32
        %add3A_121 = arith.addi %mul3A_81, %add3A_120 : i32
        %mul3A_122 = arith.constant 16 : i32
        %mul3A_123 = arith.muli %add3A_121, %mul3A_122 : i32
        %swap3A = arith.index_cast %mul3A_123 : i32 to index
        %swap3A_124 = tpu.vector_load %arg9[%swap3A] {strides = array<i32>} : memref<800xi32, #tpu.memory_space<vmem>>, vector<16xi32>,
        tpu.vector_store %arg9[%swap3A], %min3A_119 {strides = array<i32>} : memref<800xi32, #tpu.memory_space<vmem>>, vector<16xi32>,
        %min3A_125 = arith.constant 62499 : i32
        %min3A_126 = vector.broadcast %min3A_125 : i32 to vector<16xi32>
        %min3A_127 = arith.minsi %scan3A_116#1, %min3A_126 : vector<16xi32>
        %add3A_128 = arith.constant 1 : i32
        %add3A_129 = arith.addi %mul3A_81, %add3A_128 : i32
        %mul3A_130 = arith.constant 16 : i32
        %mul3A_131 = arith.muli %add3A_129, %mul3A_130 : i32
        %swap3A_132 = arith.index_cast %mul3A_131 : i32 to index
        %swap3A_133 = tpu.vector_load %arg9[%swap3A_132] {strides = array<i32>} : memref<800xi32, #tpu.memory_space<vmem>>, vector<16xi32>,
        tpu.vector_store %arg9[%swap3A_132], %min3A_127 {strides = array<i32>} : memref<800xi32, #tpu.memory_space<vmem>>, vector<16xi32>,
        %min3A_134 = arith.constant 62499 : i32
        %min3A_135 = vector.broadcast %min3A_134 : i32 to vector<16xi32>
        %min3A_136 = arith.minsi %scan3A_116#2, %min3A_135 : vector<16xi32>
        %add3A_137 = arith.constant 2 : i32
        %add3A_138 = arith.addi %mul3A_81, %add3A_137 : i32
        %mul3A_139 = arith.constant 16 : i32
        %mul3A_140 = arith.muli %add3A_138, %mul3A_139 : i32
        %swap3A_141 = arith.index_cast %mul3A_140 : i32 to index
        %swap3A_142 = tpu.vector_load %arg9[%swap3A_141] {strides = array<i32>} : memref<800xi32, #tpu.memory_space<vmem>>, vector<16xi32>,
        tpu.vector_store %arg9[%swap3A_141], %min3A_136 {strides = array<i32>} : memref<800xi32, #tpu.memory_space<vmem>>, vector<16xi32>,
        %min3A_143 = arith.constant 62499 : i32
        %min3A_144 = vector.broadcast %min3A_143 : i32 to vector<16xi32>
        %min3A_145 = arith.minsi %scan3A_116#3, %min3A_144 : vector<16xi32>
        %add3A_146 = arith.constant 3 : i32
        %add3A_147 = arith.addi %mul3A_81, %add3A_146 : i32
        %mul3A_148 = arith.constant 16 : i32
        %mul3A_149 = arith.muli %add3A_147, %mul3A_148 : i32
        %swap3A_150 = arith.index_cast %mul3A_149 : i32 to index
        %swap3A_151 = tpu.vector_load %arg9[%swap3A_150] {strides = array<i32>} : memref<800xi32, #tpu.memory_space<vmem>>, vector<16xi32>,
        tpu.vector_store %arg9[%swap3A_150], %min3A_145 {strides = array<i32>} : memref<800xi32, #tpu.memory_space<vmem>>, vector<16xi32>,
        %min3A_152 = arith.constant 62499 : i32
        %min3A_153 = vector.broadcast %min3A_152 : i32 to vector<16xi32>
        %min3A_154 = arith.minsi %scan3A_116#4, %min3A_153 : vector<16xi32>
        %add3A_155 = arith.constant 4 : i32
        %add3A_156 = arith.addi %mul3A_81, %add3A_155 : i32
        %mul3A_157 = arith.constant 16 : i32
        %mul3A_158 = arith.muli %add3A_156, %mul3A_157 : i32
        %swap3A_159 = arith.index_cast %mul3A_158 : i32 to index
        %swap3A_160 = tpu.vector_load %arg9[%swap3A_159] {strides = array<i32>} : memref<800xi32, #tpu.memory_space<vmem>>, vector<16xi32>,
        tpu.vector_store %arg9[%swap3A_159], %min3A_154 {strides = array<i32>} : memref<800xi32, #tpu.memory_space<vmem>>, vector<16xi32>,
      }
      %scan3A_62 = arith.constant 10 : i32
      %dma_start3A = arith.constant 0 : i32
      %dma_start3A_63 = arith.constant 0 : i32
      %dma_start3A_64 = tpu.memref_slice %arg3[%dma_start3A, %dma_start3A_63] : memref<62500x16xf32, #tpu.memory_space<hbm>> -> memref<62500x16xf32, #tpu.memory_space<hbm>>
      tpu.enqueue_indirect_dma source(%dma_start3A_64 : memref<62500x16xf32, #tpu.memory_space<hbm>>) target(%arg10 : memref<800x16xf32, #tpu.memory_space<vmem>>) offsets(%arg9 : memref<800xi32, #tpu.memory_space<vmem>>) semaphore(%arg13 : memref<!tpu.dma_semaphore, #tpu.memory_space<semaphore_mem>>)
      %dma_wait3A = arith.constant 0 : i32
      %dma_wait3A_65 = arith.constant 0 : i32
      %dma_wait3A_66 = tpu.memref_slice %arg3[%dma_wait3A, %dma_wait3A_65] : memref<62500x16xf32, #tpu.memory_space<hbm>> -> memref<62500x16xf32, #tpu.memory_space<hbm>>
      tpu.wait_indirect_dma semaphore(%arg13 : memref<!tpu.dma_semaphore, #tpu.memory_space<semaphore_mem>>) src(%dma_wait3A_66 : memref<62500x16xf32, #tpu.memory_space<hbm>>) dst(%arg10 : memref<800x16xf32, #tpu.memory_space<vmem>>)
      %scan3A_67 = arith.constant 0 : i32
      %scan3A_68 = arith.constant 0 : i32
      %scan3A_69 = arith.constant 10 : i32
      %scan3A_70 = arith.addi %scan3A_68, %scan3A_69 : i32
      %scan3A_71 = arith.constant 1 : i32
      scf.for %scan3A_79 = %scan3A_68 to %scan3A_70 step %scan3A_71  : i32 {
        %mul3A_80 = arith.constant 5 : i32
        %mul3A_81 = arith.muli %scan3A_79, %mul3A_80 : i32
        %add3A_82 = arith.constant 0 : i32
        %add3A_83 = arith.addi %mul3A_81, %add3A_82 : i32
        %mul3A_84 = arith.constant 16 : i32
        %mul3A_85 = arith.muli %add3A_83, %mul3A_84 : i32
        %get3A = arith.index_cast %mul3A_85 : i32 to index
        %get3A_86 = tpu.vector_load %arg8[%get3A] {strides = array<i32>} : memref<800xf32, #tpu.memory_space<vmem>>, vector<16xf32>,
        %add3A_87 = arith.constant 1 : i32
        %add3A_88 = arith.addi %mul3A_81, %add3A_87 : i32
        %mul3A_89 = arith.constant 16 : i32
        %mul3A_90 = arith.muli %add3A_88, %mul3A_89 : i32
        %get3A_91 = arith.index_cast %mul3A_90 : i32 to index
        %get3A_92 = tpu.vector_load %arg8[%get3A_91] {strides = array<i32>} : memref<800xf32, #tpu.memory_space<vmem>>, vector<16xf32>,
        %add3A_93 = arith.constant 2 : i32
        %add3A_94 = arith.addi %mul3A_81, %add3A_93 : i32
        %mul3A_95 = arith.constant 16 : i32
        %mul3A_96 = arith.muli %add3A_94, %mul3A_95 : i32
        %get3A_97 = arith.index_cast %mul3A_96 : i32 to index
        %get3A_98 = tpu.vector_load %arg8[%get3A_97] {strides = array<i32>} : memref<800xf32, #tpu.memory_space<vmem>>, vector<16xf32>,
        %add3A_99 = arith.constant 3 : i32
        %add3A_100 = arith.addi %mul3A_81, %add3A_99 : i32
        %mul3A_101 = arith.constant 16 : i32
        %mul3A_102 = arith.muli %add3A_100, %mul3A_101 : i32
        %get3A_103 = arith.index_cast %mul3A_102 : i32 to index
        %get3A_104 = tpu.vector_load %arg8[%get3A_103] {strides = array<i32>} : memref<800xf32, #tpu.memory_space<vmem>>, vector<16xf32>,
        %add3A_105 = arith.constant 4 : i32
        %add3A_106 = arith.addi %mul3A_81, %add3A_105 : i32
        %mul3A_107 = arith.constant 16 : i32
        %mul3A_108 = arith.muli %add3A_106, %mul3A_107 : i32
        %get3A_109 = arith.index_cast %mul3A_108 : i32 to index
        %get3A_110 = tpu.vector_load %arg8[%get3A_109] {strides = array<i32>} : memref<800xf32, #tpu.memory_space<vmem>>, vector<16xf32>,
        %add3A_111 = arith.constant 0 : i32
        %add3A_112 = arith.addi %mul3A_81, %add3A_111 : i32
        %mul3A_113 = arith.constant 16 : i32
        %mul3A_114 = arith.muli %add3A_112, %mul3A_113 : i32
        %add3A_115 = vector.broadcast %mul3A_114 : i32 to vector<16xi32>
        %add3A_116 = arith.addi %add3A_115, %iota3A : vector<16xi32>
        %add3A_117 = arith.constant 1 : i32
        %add3A_118 = arith.addi %mul3A_81, %add3A_117 : i32
        %mul3A_119 = arith.constant 16 : i32
        %mul3A_120 = arith.muli %add3A_118, %mul3A_119 : i32
        %add3A_121 = vector.broadcast %mul3A_120 : i32 to vector<16xi32>
        %add3A_122 = arith.addi %add3A_121, %iota3A : vector<16xi32>
        %add3A_123 = arith.constant 2 : i32
        %add3A_124 = arith.addi %mul3A_81, %add3A_123 : i32
        %mul3A_125 = arith.constant 16 : i32
        %mul3A_126 = arith.muli %add3A_124, %mul3A_125 : i32
        %add3A_127 = vector.broadcast %mul3A_126 : i32 to vector<16xi32>
        %add3A_128 = arith.addi %add3A_127, %iota3A : vector<16xi32>
        %add3A_129 = arith.constant 3 : i32
        %add3A_130 = arith.addi %mul3A_81, %add3A_129 : i32
        %mul3A_131 = arith.constant 16 : i32
        %mul3A_132 = arith.muli %add3A_130, %mul3A_131 : i32
        %add3A_133 = vector.broadcast %mul3A_132 : i32 to vector<16xi32>
        %add3A_134 = arith.addi %add3A_133, %iota3A : vector<16xi32>
        %add3A_135 = arith.constant 4 : i32
        %add3A_136 = arith.addi %mul3A_81, %add3A_135 : i32
        %mul3A_137 = arith.constant 16 : i32
        %mul3A_138 = arith.muli %add3A_136, %mul3A_137 : i32
        %add3A_139 = vector.broadcast %mul3A_138 : i32 to vector<16xi32>
        %add3A_140 = arith.addi %add3A_139, %iota3A : vector<16xi32>
        %broadcast_in_dim3A = arith.constant 0 : i32
        %broadcast_in_dim3A_141 = vector.broadcast %broadcast_in_dim3A : i32 to vector<16xi32>
        %scan3A_142 = arith.constant 0 : i32
        %scan3A_143 = arith.constant 16 : i32
        %scan3A_144 = arith.addi %scan3A_142, %scan3A_143 : i32
        %scan3A_145 = arith.constant 1 : i32
        %scan3A_146:5 = scf.for %scan3A_241 = %scan3A_142 to %scan3A_144 step %scan3A_145 iter_args(%scan3A_242 = %broadcast_in_dim3A_141, %scan3A_243 = %broadcast_in_dim3A_141, %scan3A_244 = %broadcast_in_dim3A_141, %scan3A_245 = %broadcast_in_dim3A_141, %scan3A_246 = %broadcast_in_dim3A_141) -> (vector<16xi32>, vector<16xi32>, vector<16xi32>, vector<16xi32>, vector<16xi32>)  : i32 {
          %broadcast_in_dim3A_247 = arith.constant 0 : i32
          %broadcast_in_dim3A_248 = vector.broadcast %broadcast_in_dim3A_247 : i32 to vector<16xi32>
          %add3A_249 = vector.broadcast %scan3A_241 : i32 to vector<16xi32>
          %add3A_250 = arith.addi %broadcast_in_dim3A_248, %add3A_249 : vector<16xi32>
          %gather3A = tpu.vector_load_idx %arg10[%add3A_116, %add3A_250] : memref<800x16xf32, #tpu.memory_space<vmem>>[vector<16xi32>, vector<16xi32>], vector<16xf32>,
          %gather3A_251 = tpu.vector_load_idx %arg10[%add3A_122, %add3A_250] : memref<800x16xf32, #tpu.memory_space<vmem>>[vector<16xi32>, vector<16xi32>], vector<16xf32>,
          %gather3A_252 = tpu.vector_load_idx %arg10[%add3A_128, %add3A_250] : memref<800x16xf32, #tpu.memory_space<vmem>>[vector<16xi32>, vector<16xi32>], vector<16xf32>,
          %gather3A_253 = tpu.vector_load_idx %arg10[%add3A_134, %add3A_250] : memref<800x16xf32, #tpu.memory_space<vmem>>[vector<16xi32>, vector<16xi32>], vector<16xf32>,
          %gather3A_254 = tpu.vector_load_idx %arg10[%add3A_140, %add3A_250] : memref<800x16xf32, #tpu.memory_space<vmem>>[vector<16xi32>, vector<16xi32>], vector<16xf32>,
          %lt3A = arith.cmpf olt, %gather3A, %get3A_86 : vector<16xf32>
          %jit3A_255 = arith.constant 1 : i32
          %jit3A_256 = arith.constant 0 : i32
          %broadcast_in_dim3A_257 = vector.broadcast %jit3A_255 : i32 to vector<16xi32>
          %broadcast_in_dim3A_258 = vector.broadcast %jit3A_256 : i32 to vector<16xi32>
          %select_n3A_259 = arith.select %lt3A, %broadcast_in_dim3A_257, %broadcast_in_dim3A_258 : vector<16xi1>, vector<16xi32>
          %add3A_260 = arith.addi %scan3A_242, %select_n3A_259 : vector<16xi32>
          %lt3A_261 = arith.cmpf olt, %gather3A_251, %get3A_92 : vector<16xf32>
          %jit3A_262 = arith.constant 1 : i32
          %jit3A_263 = arith.constant 0 : i32
          %broadcast_in_dim3A_264 = vector.broadcast %jit3A_262 : i32 to vector<16xi32>
          %broadcast_in_dim3A_265 = vector.broadcast %jit3A_263 : i32 to vector<16xi32>
          %select_n3A_266 = arith.select %lt3A_261, %broadcast_in_dim3A_264, %broadcast_in_dim3A_265 : vector<16xi1>, vector<16xi32>
          %add3A_267 = arith.addi %scan3A_243, %select_n3A_266 : vector<16xi32>
          %lt3A_268 = arith.cmpf olt, %gather3A_252, %get3A_98 : vector<16xf32>
          %jit3A_269 = arith.constant 1 : i32
          %jit3A_270 = arith.constant 0 : i32
          %broadcast_in_dim3A_271 = vector.broadcast %jit3A_269 : i32 to vector<16xi32>
          %broadcast_in_dim3A_272 = vector.broadcast %jit3A_270 : i32 to vector<16xi32>
          %select_n3A_273 = arith.select %lt3A_268, %broadcast_in_dim3A_271, %broadcast_in_dim3A_272 : vector<16xi1>, vector<16xi32>
          %add3A_274 = arith.addi %scan3A_244, %select_n3A_273 : vector<16xi32>
          %lt3A_275 = arith.cmpf olt, %gather3A_253, %get3A_104 : vector<16xf32>
          %jit3A_276 = arith.constant 1 : i32
          %jit3A_277 = arith.constant 0 : i32
          %broadcast_in_dim3A_278 = vector.broadcast %jit3A_276 : i32 to vector<16xi32>
          %broadcast_in_dim3A_279 = vector.broadcast %jit3A_277 : i32 to vector<16xi32>
          %select_n3A_280 = arith.select %lt3A_275, %broadcast_in_dim3A_278, %broadcast_in_dim3A_279 : vector<16xi1>, vector<16xi32>
          %add3A_281 = arith.addi %scan3A_245, %select_n3A_280 : vector<16xi32>
          %lt3A_282 = arith.cmpf olt, %gather3A_254, %get3A_110 : vector<16xf32>
          %jit3A_283 = arith.constant 1 : i32
          %jit3A_284 = arith.constant 0 : i32
          %broadcast_in_dim3A_285 = vector.broadcast %jit3A_283 : i32 to vector<16xi32>
          %broadcast_in_dim3A_286 = vector.broadcast %jit3A_284 : i32 to vector<16xi32>
          %select_n3A_287 = arith.select %lt3A_282, %broadcast_in_dim3A_285, %broadcast_in_dim3A_286 : vector<16xi1>, vector<16xi32>
          %add3A_288 = arith.addi %scan3A_246, %select_n3A_287 : vector<16xi32>
          scf.yield %add3A_260, %add3A_267, %add3A_274, %add3A_281, %add3A_288 : vector<16xi32>, vector<16xi32>, vector<16xi32>, vector<16xi32>, vector<16xi32>
        }
        %scan3A_147 = arith.constant 16 : i32
        %add3A_148 = arith.constant 0 : i32
        %add3A_149 = arith.addi %mul3A_81, %add3A_148 : i32
        %mul3A_150 = arith.constant 16 : i32
        %mul3A_151 = arith.muli %add3A_149, %mul3A_150 : i32
        %get3A_152 = arith.index_cast %mul3A_151 : i32 to index
        %get3A_153 = tpu.vector_load %arg9[%get3A_152] {strides = array<i32>} : memref<800xi32, #tpu.memory_space<vmem>>, vector<16xi32>,
        %mul3A_154 = arith.constant 16 : i32
        %mul3A_155 = vector.broadcast %mul3A_154 : i32 to vector<16xi32>
        %mul3A_156 = arith.muli %get3A_153, %mul3A_155 : vector<16xi32>
        %add3A_157 = arith.addi %mul3A_156, %scan3A_146#0 : vector<16xi32>
        %min3A = arith.constant 999999 : i32
        %min3A_158 = vector.broadcast %min3A : i32 to vector<16xi32>
        %min3A_159 = arith.minsi %add3A_157, %min3A_158 : vector<16xi32>
        %add3A_160 = arith.constant 0 : i32
        %add3A_161 = arith.addi %mul3A_81, %add3A_160 : i32
        %mul3A_162 = arith.constant 16 : i32
        %mul3A_163 = arith.muli %add3A_161, %mul3A_162 : i32
        %swap3A = arith.index_cast %mul3A_163 : i32 to index
        %swap3A_164 = tpu.vector_load %arg11[%swap3A] {strides = array<i32>} : memref<800xi32, #tpu.memory_space<vmem>>, vector<16xi32>,
        tpu.vector_store %arg11[%swap3A], %min3A_159 {strides = array<i32>} : memref<800xi32, #tpu.memory_space<vmem>>, vector<16xi32>,
        %add3A_165 = arith.constant 1 : i32
        %add3A_166 = arith.addi %mul3A_81, %add3A_165 : i32
        %mul3A_167 = arith.constant 16 : i32
        %mul3A_168 = arith.muli %add3A_166, %mul3A_167 : i32
        %get3A_169 = arith.index_cast %mul3A_168 : i32 to index
        %get3A_170 = tpu.vector_load %arg9[%get3A_169] {strides = array<i32>} : memref<800xi32, #tpu.memory_space<vmem>>, vector<16xi32>,
        %mul3A_171 = arith.constant 16 : i32
        %mul3A_172 = vector.broadcast %mul3A_171 : i32 to vector<16xi32>
        %mul3A_173 = arith.muli %get3A_170, %mul3A_172 : vector<16xi32>
        %add3A_174 = arith.addi %mul3A_173, %scan3A_146#1 : vector<16xi32>
        %min3A_175 = arith.constant 999999 : i32
        %min3A_176 = vector.broadcast %min3A_175 : i32 to vector<16xi32>
        %min3A_177 = arith.minsi %add3A_174, %min3A_176 : vector<16xi32>
        %add3A_178 = arith.constant 1 : i32
        %add3A_179 = arith.addi %mul3A_81, %add3A_178 : i32
        %mul3A_180 = arith.constant 16 : i32
        %mul3A_181 = arith.muli %add3A_179, %mul3A_180 : i32
        %swap3A_182 = arith.index_cast %mul3A_181 : i32 to index
        %swap3A_183 = tpu.vector_load %arg11[%swap3A_182] {strides = array<i32>} : memref<800xi32, #tpu.memory_space<vmem>>, vector<16xi32>,
        tpu.vector_store %arg11[%swap3A_182], %min3A_177 {strides = array<i32>} : memref<800xi32, #tpu.memory_space<vmem>>, vector<16xi32>,
        %add3A_184 = arith.constant 2 : i32
        %add3A_185 = arith.addi %mul3A_81, %add3A_184 : i32
        %mul3A_186 = arith.constant 16 : i32
        %mul3A_187 = arith.muli %add3A_185, %mul3A_186 : i32
        %get3A_188 = arith.index_cast %mul3A_187 : i32 to index
        %get3A_189 = tpu.vector_load %arg9[%get3A_188] {strides = array<i32>} : memref<800xi32, #tpu.memory_space<vmem>>, vector<16xi32>,
        %mul3A_190 = arith.constant 16 : i32
        %mul3A_191 = vector.broadcast %mul3A_190 : i32 to vector<16xi32>
        %mul3A_192 = arith.muli %get3A_189, %mul3A_191 : vector<16xi32>
        %add3A_193 = arith.addi %mul3A_192, %scan3A_146#2 : vector<16xi32>
        %min3A_194 = arith.constant 999999 : i32
        %min3A_195 = vector.broadcast %min3A_194 : i32 to vector<16xi32>
        %min3A_196 = arith.minsi %add3A_193, %min3A_195 : vector<16xi32>
        %add3A_197 = arith.constant 2 : i32
        %add3A_198 = arith.addi %mul3A_81, %add3A_197 : i32
        %mul3A_199 = arith.constant 16 : i32
        %mul3A_200 = arith.muli %add3A_198, %mul3A_199 : i32
        %swap3A_201 = arith.index_cast %mul3A_200 : i32 to index
        %swap3A_202 = tpu.vector_load %arg11[%swap3A_201] {strides = array<i32>} : memref<800xi32, #tpu.memory_space<vmem>>, vector<16xi32>,
        tpu.vector_store %arg11[%swap3A_201], %min3A_196 {strides = array<i32>} : memref<800xi32, #tpu.memory_space<vmem>>, vector<16xi32>,
        %add3A_203 = arith.constant 3 : i32
        %add3A_204 = arith.addi %mul3A_81, %add3A_203 : i32
        %mul3A_205 = arith.constant 16 : i32
        %mul3A_206 = arith.muli %add3A_204, %mul3A_205 : i32
        %get3A_207 = arith.index_cast %mul3A_206 : i32 to index
        %get3A_208 = tpu.vector_load %arg9[%get3A_207] {strides = array<i32>} : memref<800xi32, #tpu.memory_space<vmem>>, vector<16xi32>,
        %mul3A_209 = arith.constant 16 : i32
        %mul3A_210 = vector.broadcast %mul3A_209 : i32 to vector<16xi32>
        %mul3A_211 = arith.muli %get3A_208, %mul3A_210 : vector<16xi32>
        %add3A_212 = arith.addi %mul3A_211, %scan3A_146#3 : vector<16xi32>
        %min3A_213 = arith.constant 999999 : i32
        %min3A_214 = vector.broadcast %min3A_213 : i32 to vector<16xi32>
        %min3A_215 = arith.minsi %add3A_212, %min3A_214 : vector<16xi32>
        %add3A_216 = arith.constant 3 : i32
        %add3A_217 = arith.addi %mul3A_81, %add3A_216 : i32
        %mul3A_218 = arith.constant 16 : i32
        %mul3A_219 = arith.muli %add3A_217, %mul3A_218 : i32
        %swap3A_220 = arith.index_cast %mul3A_219 : i32 to index
        %swap3A_221 = tpu.vector_load %arg11[%swap3A_220] {strides = array<i32>} : memref<800xi32, #tpu.memory_space<vmem>>, vector<16xi32>,
        tpu.vector_store %arg11[%swap3A_220], %min3A_215 {strides = array<i32>} : memref<800xi32, #tpu.memory_space<vmem>>, vector<16xi32>,
        %add3A_222 = arith.constant 4 : i32
        %add3A_223 = arith.addi %mul3A_81, %add3A_222 : i32
        %mul3A_224 = arith.constant 16 : i32
        %mul3A_225 = arith.muli %add3A_223, %mul3A_224 : i32
        %get3A_226 = arith.index_cast %mul3A_225 : i32 to index
        %get3A_227 = tpu.vector_load %arg9[%get3A_226] {strides = array<i32>} : memref<800xi32, #tpu.memory_space<vmem>>, vector<16xi32>,
        %mul3A_228 = arith.constant 16 : i32
        %mul3A_229 = vector.broadcast %mul3A_228 : i32 to vector<16xi32>
        %mul3A_230 = arith.muli %get3A_227, %mul3A_229 : vector<16xi32>
        %add3A_231 = arith.addi %mul3A_230, %scan3A_146#4 : vector<16xi32>
        %min3A_232 = arith.constant 999999 : i32
        %min3A_233 = vector.broadcast %min3A_232 : i32 to vector<16xi32>
        %min3A_234 = arith.minsi %add3A_231, %min3A_233 : vector<16xi32>
        %add3A_235 = arith.constant 4 : i32
        %add3A_236 = arith.addi %mul3A_81, %add3A_235 : i32
        %mul3A_237 = arith.constant 16 : i32
        %mul3A_238 = arith.muli %add3A_236, %mul3A_237 : i32
        %swap3A_239 = arith.index_cast %mul3A_238 : i32 to index
        %swap3A_240 = tpu.vector_load %arg11[%swap3A_239] {strides = array<i32>} : memref<800xi32, #tpu.memory_space<vmem>>, vector<16xi32>,
        tpu.vector_store %arg11[%swap3A_239], %min3A_234 {strides = array<i32>} : memref<800xi32, #tpu.memory_space<vmem>>, vector<16xi32>,
      }
      %scan3A_72 = arith.constant 10 : i32
      %dma_start3A_73 = arith.constant 0 : i32
      %dma_start3A_74 = arith.constant 0 : i32
      %dma_start3A_75 = tpu.memref_slice %arg5[%dma_start3A_73, %dma_start3A_74] : memref<1000000x16xf32, #tpu.memory_space<hbm>> -> memref<1000000x16xf32, #tpu.memory_space<hbm>>
      tpu.enqueue_indirect_dma source(%dma_start3A_75 : memref<1000000x16xf32, #tpu.memory_space<hbm>>) target(%arg12 : memref<800x16xf32, #tpu.memory_space<vmem>>) offsets(%arg11 : memref<800xi32, #tpu.memory_space<vmem>>) semaphore(%arg13 : memref<!tpu.dma_semaphore, #tpu.memory_space<semaphore_mem>>)
      %dma_wait3A_76 = arith.constant 0 : i32
      %dma_wait3A_77 = arith.constant 0 : i32
      %dma_wait3A_78 = tpu.memref_slice %arg5[%dma_wait3A_76, %dma_wait3A_77] : memref<1000000x16xf32, #tpu.memory_space<hbm>> -> memref<1000000x16xf32, #tpu.memory_space<hbm>>
      tpu.wait_indirect_dma semaphore(%arg13 : memref<!tpu.dma_semaphore, #tpu.memory_space<semaphore_mem>>) src(%dma_wait3A_78 : memref<1000000x16xf32, #tpu.memory_space<hbm>>) dst(%arg12 : memref<800x16xf32, #tpu.memory_space<vmem>>)
      "tpu.region"() ({
        %run_scoped3A = tpu.sem_alloc : memref<!tpu.dma_semaphore, #tpu.memory_space<semaphore_mem>>
        %dma_start3A_79 = arith.constant 0 : i32
        %dma_start3A_80 = tpu.memref_slice %arg6[%mul3A_57, %dma_start3A_79] : memref<1000000x16xf32, #tpu.memory_space<hbm>> -> memref<800x16xf32, #tpu.memory_space<hbm>>
        %dma_start3A_81 = arith.constant 0 : i32
        %dma_start3A_82 = tpu.memref_slice %arg6[%mul3A_57, %dma_start3A_81] : memref<1000000x16xf32, #tpu.memory_space<hbm>> -> memref<800x16xf32, #tpu.memory_space<hbm>>
        tpu.enqueue_dma source(%arg12 : memref<800x16xf32, #tpu.memory_space<vmem>>) target(%dma_start3A_82 : memref<800x16xf32, #tpu.memory_space<hbm>>) target_semaphore(%run_scoped3A : memref<!tpu.dma_semaphore, #tpu.memory_space<semaphore_mem>>)
        %dma_wait3A_83 = arith.constant 0 : i32
        %dma_wait3A_84 = tpu.memref_slice %arg6[%mul3A_57, %dma_wait3A_83] : memref<1000000x16xf32, #tpu.memory_space<hbm>> -> memref<800x16xf32, #tpu.memory_space<hbm>>
        %dma_wait3A_85 = arith.constant 0 : i32
        %dma_wait3A_86 = tpu.memref_slice %arg6[%mul3A_57, %dma_wait3A_85] : memref<1000000x16xf32, #tpu.memory_space<hbm>> -> memref<800x16xf32, #tpu.memory_space<hbm>>
        tpu.wait_dma2 semaphore(%run_scoped3A : memref<!tpu.dma_semaphore, #tpu.memory_space<semaphore_mem>>) src(%arg12 : memref<800x16xf32, #tpu.memory_space<vmem>>) dst(%dma_wait3A_86 : memref<800x16xf32, #tpu.memory_space<hbm>>)
        tpu.yield
      }) : () -> ()
    }
    %while3A_54 = arith.constant 1 : i32
    scf.for %while3A_55 = %while3A_52 to %while3A_48 step %while3A_54  : i32 {
      %mul3A_56 = arith.constant 800 : i32
      %mul3A_57 = arith.muli %while3A_55, %mul3A_56 : i32
      "tpu.region"() ({
        %run_scoped3A = tpu.sem_alloc : memref<!tpu.dma_semaphore, #tpu.memory_space<semaphore_mem>>
        %dma_start3A_79 = tpu.memref_slice %arg4[%mul3A_57] : memref<1000000xf32, #tpu.memory_space<hbm>> -> memref<800xf32, #tpu.memory_space<hbm>>
        %dma_start3A_80 = tpu.memref_slice %arg4[%mul3A_57] : memref<1000000xf32, #tpu.memory_space<hbm>> -> memref<800xf32, #tpu.memory_space<hbm>>
        tpu.enqueue_dma source(%dma_start3A_80 : memref<800xf32, #tpu.memory_space<hbm>>) target(%arg8 : memref<800xf32, #tpu.memory_space<vmem>>) target_semaphore(%run_scoped3A : memref<!tpu.dma_semaphore, #tpu.memory_space<semaphore_mem>>)
        %dma_wait3A_81 = tpu.memref_slice %arg4[%mul3A_57] : memref<1000000xf32, #tpu.memory_space<hbm>> -> memref<800xf32, #tpu.memory_space<hbm>>
        %dma_wait3A_82 = tpu.memref_slice %arg4[%mul3A_57] : memref<1000000xf32, #tpu.memory_space<hbm>> -> memref<800xf32, #tpu.memory_space<hbm>>
        tpu.wait_dma2 semaphore(%run_scoped3A : memref<!tpu.dma_semaphore, #tpu.memory_space<semaphore_mem>>) src(%dma_wait3A_82 : memref<800xf32, #tpu.memory_space<hbm>>) dst(%arg8 : memref<800xf32, #tpu.memory_space<vmem>>)
        tpu.yield
      }) : () -> ()
      %scan3A = arith.constant 0 : i32
      %scan3A_58 = arith.constant 0 : i32
      %scan3A_59 = arith.constant 10 : i32
      %scan3A_60 = arith.addi %scan3A_58, %scan3A_59 : i32
      %scan3A_61 = arith.constant 1 : i32
      scf.for %scan3A_79 = %scan3A_58 to %scan3A_60 step %scan3A_61  : i32 {
        %mul3A_80 = arith.constant 5 : i32
        %mul3A_81 = arith.muli %scan3A_79, %mul3A_80 : i32
        %add3A_82 = arith.constant 0 : i32
        %add3A_83 = arith.addi %mul3A_81, %add3A_82 : i32
        %mul3A_84 = arith.constant 16 : i32
        %mul3A_85 = arith.muli %add3A_83, %mul3A_84 : i32
        %get3A = arith.index_cast %mul3A_85 : i32 to index
        %get3A_86 = tpu.vector_load %arg8[%get3A] {strides = array<i32>} : memref<800xf32, #tpu.memory_space<vmem>>, vector<16xf32>,
        %add3A_87 = arith.constant 1 : i32
        %add3A_88 = arith.addi %mul3A_81, %add3A_87 : i32
        %mul3A_89 = arith.constant 16 : i32
        %mul3A_90 = arith.muli %add3A_88, %mul3A_89 : i32
        %get3A_91 = arith.index_cast %mul3A_90 : i32 to index
        %get3A_92 = tpu.vector_load %arg8[%get3A_91] {strides = array<i32>} : memref<800xf32, #tpu.memory_space<vmem>>, vector<16xf32>,
        %add3A_93 = arith.constant 2 : i32
        %add3A_94 = arith.addi %mul3A_81, %add3A_93 : i32
        %mul3A_95 = arith.constant 16 : i32
        %mul3A_96 = arith.muli %add3A_94, %mul3A_95 : i32
        %get3A_97 = arith.index_cast %mul3A_96 : i32 to index
        %get3A_98 = tpu.vector_load %arg8[%get3A_97] {strides = array<i32>} : memref<800xf32, #tpu.memory_space<vmem>>, vector<16xf32>,
        %add3A_99 = arith.constant 3 : i32
        %add3A_100 = arith.addi %mul3A_81, %add3A_99 : i32
        %mul3A_101 = arith.constant 16 : i32
        %mul3A_102 = arith.muli %add3A_100, %mul3A_101 : i32
        %get3A_103 = arith.index_cast %mul3A_102 : i32 to index
        %get3A_104 = tpu.vector_load %arg8[%get3A_103] {strides = array<i32>} : memref<800xf32, #tpu.memory_space<vmem>>, vector<16xf32>,
        %add3A_105 = arith.constant 4 : i32
        %add3A_106 = arith.addi %mul3A_81, %add3A_105 : i32
        %mul3A_107 = arith.constant 16 : i32
        %mul3A_108 = arith.muli %add3A_106, %mul3A_107 : i32
        %get3A_109 = arith.index_cast %mul3A_108 : i32 to index
        %get3A_110 = tpu.vector_load %arg8[%get3A_109] {strides = array<i32>} : memref<800xf32, #tpu.memory_space<vmem>>, vector<16xf32>,
        %broadcast_in_dim3A = arith.constant 0 : i32
        %broadcast_in_dim3A_111 = vector.broadcast %broadcast_in_dim3A : i32 to vector<16xi32>
        %scan3A_112 = arith.constant 0 : i32
        %scan3A_113 = arith.constant 16 : i32
        %scan3A_114 = arith.addi %scan3A_112, %scan3A_113 : i32
        %scan3A_115 = arith.constant 1 : i32
        %scan3A_116:5 = scf.for %scan3A_161 = %scan3A_112 to %scan3A_114 step %scan3A_115 iter_args(%scan3A_162 = %broadcast_in_dim3A_111, %scan3A_163 = %broadcast_in_dim3A_111, %scan3A_164 = %broadcast_in_dim3A_111, %scan3A_165 = %broadcast_in_dim3A_111, %scan3A_166 = %broadcast_in_dim3A_111) -> (vector<16xi32>, vector<16xi32>, vector<16xi32>, vector<16xi32>, vector<16xi32>)  : i32 {
          %shift_right_arithmetic3A = arith.constant 32768 : i32
          %shift_right_arithmetic3A_167 = arith.shrsi %shift_right_arithmetic3A, %scan3A_161 : i32
          %sub3A_168 = arith.constant 1 : i32
          %sub3A_169 = arith.subi %shift_right_arithmetic3A_167, %sub3A_168 : i32
          %add3A_170 = vector.broadcast %sub3A_169 : i32 to vector<16xi32>
          %add3A_171 = arith.addi %scan3A_162, %add3A_170 : vector<16xi32>
          %gather3A = tpu.vector_load_idx %arg7[%add3A_171] : memref<65536xf32, #tpu.memory_space<vmem>>[vector<16xi32>], vector<16xf32>,
          %sub3A_172 = arith.constant 1 : i32
          %sub3A_173 = arith.subi %shift_right_arithmetic3A_167, %sub3A_172 : i32
          %add3A_174 = vector.broadcast %sub3A_173 : i32 to vector<16xi32>
          %add3A_175 = arith.addi %scan3A_163, %add3A_174 : vector<16xi32>
          %gather3A_176 = tpu.vector_load_idx %arg7[%add3A_175] : memref<65536xf32, #tpu.memory_space<vmem>>[vector<16xi32>], vector<16xf32>,
          %sub3A_177 = arith.constant 1 : i32
          %sub3A_178 = arith.subi %shift_right_arithmetic3A_167, %sub3A_177 : i32
          %add3A_179 = vector.broadcast %sub3A_178 : i32 to vector<16xi32>
          %add3A_180 = arith.addi %scan3A_164, %add3A_179 : vector<16xi32>
          %gather3A_181 = tpu.vector_load_idx %arg7[%add3A_180] : memref<65536xf32, #tpu.memory_space<vmem>>[vector<16xi32>], vector<16xf32>,
          %sub3A_182 = arith.constant 1 : i32
          %sub3A_183 = arith.subi %shift_right_arithmetic3A_167, %sub3A_182 : i32
          %add3A_184 = vector.broadcast %sub3A_183 : i32 to vector<16xi32>
          %add3A_185 = arith.addi %scan3A_165, %add3A_184 : vector<16xi32>
          %gather3A_186 = tpu.vector_load_idx %arg7[%add3A_185] : memref<65536xf32, #tpu.memory_space<vmem>>[vector<16xi32>], vector<16xf32>,
          %sub3A_187 = arith.constant 1 : i32
          %sub3A_188 = arith.subi %shift_right_arithmetic3A_167, %sub3A_187 : i32
          %add3A_189 = vector.broadcast %sub3A_188 : i32 to vector<16xi32>
          %add3A_190 = arith.addi %scan3A_166, %add3A_189 : vector<16xi32>
          %gather3A_191 = tpu.vector_load_idx %arg7[%add3A_190] : memref<65536xf32, #tpu.memory_space<vmem>>[vector<16xi32>], vector<16xf32>,
          %lt3A = arith.cmpf olt, %gather3A, %get3A_86 : vector<16xf32>
          %jit3A_192 = arith.constant 0 : i32
          %broadcast_in_dim3A_193 = vector.broadcast %shift_right_arithmetic3A_167 : i32 to vector<16xi32>
          %broadcast_in_dim3A_194 = vector.broadcast %jit3A_192 : i32 to vector<16xi32>
          %select_n3A_195 = arith.select %lt3A, %broadcast_in_dim3A_193, %broadcast_in_dim3A_194 : vector<16xi1>, vector<16xi32>
          %add3A_196 = arith.addi %scan3A_162, %select_n3A_195 : vector<16xi32>
          %lt3A_197 = arith.cmpf olt, %gather3A_176, %get3A_92 : vector<16xf32>
          %jit3A_198 = arith.constant 0 : i32
          %broadcast_in_dim3A_199 = vector.broadcast %shift_right_arithmetic3A_167 : i32 to vector<16xi32>
          %broadcast_in_dim3A_200 = vector.broadcast %jit3A_198 : i32 to vector<16xi32>
          %select_n3A_201 = arith.select %lt3A_197, %broadcast_in_dim3A_199, %broadcast_in_dim3A_200 : vector<16xi1>, vector<16xi32>
          %add3A_202 = arith.addi %scan3A_163, %select_n3A_201 : vector<16xi32>
          %lt3A_203 = arith.cmpf olt, %gather3A_181, %get3A_98 : vector<16xf32>
          %jit3A_204 = arith.constant 0 : i32
          %broadcast_in_dim3A_205 = vector.broadcast %shift_right_arithmetic3A_167 : i32 to vector<16xi32>
          %broadcast_in_dim3A_206 = vector.broadcast %jit3A_204 : i32 to vector<16xi32>
          %select_n3A_207 = arith.select %lt3A_203, %broadcast_in_dim3A_205, %broadcast_in_dim3A_206 : vector<16xi1>, vector<16xi32>
          %add3A_208 = arith.addi %scan3A_164, %select_n3A_207 : vector<16xi32>
          %lt3A_209 = arith.cmpf olt, %gather3A_186, %get3A_104 : vector<16xf32>
          %jit3A_210 = arith.constant 0 : i32
          %broadcast_in_dim3A_211 = vector.broadcast %shift_right_arithmetic3A_167 : i32 to vector<16xi32>
          %broadcast_in_dim3A_212 = vector.broadcast %jit3A_210 : i32 to vector<16xi32>
          %select_n3A_213 = arith.select %lt3A_209, %broadcast_in_dim3A_211, %broadcast_in_dim3A_212 : vector<16xi1>, vector<16xi32>
          %add3A_214 = arith.addi %scan3A_165, %select_n3A_213 : vector<16xi32>
          %lt3A_215 = arith.cmpf olt, %gather3A_191, %get3A_110 : vector<16xf32>
          %jit3A_216 = arith.constant 0 : i32
          %broadcast_in_dim3A_217 = vector.broadcast %shift_right_arithmetic3A_167 : i32 to vector<16xi32>
          %broadcast_in_dim3A_218 = vector.broadcast %jit3A_216 : i32 to vector<16xi32>
          %select_n3A_219 = arith.select %lt3A_215, %broadcast_in_dim3A_217, %broadcast_in_dim3A_218 : vector<16xi1>, vector<16xi32>
          %add3A_220 = arith.addi %scan3A_166, %select_n3A_219 : vector<16xi32>
          scf.yield %add3A_196, %add3A_202, %add3A_208, %add3A_214, %add3A_220 : vector<16xi32>, vector<16xi32>, vector<16xi32>, vector<16xi32>, vector<16xi32>
        }
        %scan3A_117 = arith.constant 16 : i32
        %min3A = arith.constant 62499 : i32
        %min3A_118 = vector.broadcast %min3A : i32 to vector<16xi32>
        %min3A_119 = arith.minsi %scan3A_116#0, %min3A_118 : vector<16xi32>
        %add3A_120 = arith.constant 0 : i32
        %add3A_121 = arith.addi %mul3A_81, %add3A_120 : i32
        %mul3A_122 = arith.constant 16 : i32
        %mul3A_123 = arith.muli %add3A_121, %mul3A_122 : i32
        %swap3A = arith.index_cast %mul3A_123 : i32 to index
        %swap3A_124 = tpu.vector_load %arg9[%swap3A] {strides = array<i32>} : memref<800xi32, #tpu.memory_space<vmem>>, vector<16xi32>,
        tpu.vector_store %arg9[%swap3A], %min3A_119 {strides = array<i32>} : memref<800xi32, #tpu.memory_space<vmem>>, vector<16xi32>,
        %min3A_125 = arith.constant 62499 : i32
        %min3A_126 = vector.broadcast %min3A_125 : i32 to vector<16xi32>
        %min3A_127 = arith.minsi %scan3A_116#1, %min3A_126 : vector<16xi32>
        %add3A_128 = arith.constant 1 : i32
        %add3A_129 = arith.addi %mul3A_81, %add3A_128 : i32
        %mul3A_130 = arith.constant 16 : i32
        %mul3A_131 = arith.muli %add3A_129, %mul3A_130 : i32
        %swap3A_132 = arith.index_cast %mul3A_131 : i32 to index
        %swap3A_133 = tpu.vector_load %arg9[%swap3A_132] {strides = array<i32>} : memref<800xi32, #tpu.memory_space<vmem>>, vector<16xi32>,
        tpu.vector_store %arg9[%swap3A_132], %min3A_127 {strides = array<i32>} : memref<800xi32, #tpu.memory_space<vmem>>, vector<16xi32>,
        %min3A_134 = arith.constant 62499 : i32
        %min3A_135 = vector.broadcast %min3A_134 : i32 to vector<16xi32>
        %min3A_136 = arith.minsi %scan3A_116#2, %min3A_135 : vector<16xi32>
        %add3A_137 = arith.constant 2 : i32
        %add3A_138 = arith.addi %mul3A_81, %add3A_137 : i32
        %mul3A_139 = arith.constant 16 : i32
        %mul3A_140 = arith.muli %add3A_138, %mul3A_139 : i32
        %swap3A_141 = arith.index_cast %mul3A_140 : i32 to index
        %swap3A_142 = tpu.vector_load %arg9[%swap3A_141] {strides = array<i32>} : memref<800xi32, #tpu.memory_space<vmem>>, vector<16xi32>,
        tpu.vector_store %arg9[%swap3A_141], %min3A_136 {strides = array<i32>} : memref<800xi32, #tpu.memory_space<vmem>>, vector<16xi32>,
        %min3A_143 = arith.constant 62499 : i32
        %min3A_144 = vector.broadcast %min3A_143 : i32 to vector<16xi32>
        %min3A_145 = arith.minsi %scan3A_116#3, %min3A_144 : vector<16xi32>
        %add3A_146 = arith.constant 3 : i32
        %add3A_147 = arith.addi %mul3A_81, %add3A_146 : i32
        %mul3A_148 = arith.constant 16 : i32
        %mul3A_149 = arith.muli %add3A_147, %mul3A_148 : i32
        %swap3A_150 = arith.index_cast %mul3A_149 : i32 to index
        %swap3A_151 = tpu.vector_load %arg9[%swap3A_150] {strides = array<i32>} : memref<800xi32, #tpu.memory_space<vmem>>, vector<16xi32>,
        tpu.vector_store %arg9[%swap3A_150], %min3A_145 {strides = array<i32>} : memref<800xi32, #tpu.memory_space<vmem>>, vector<16xi32>,
        %min3A_152 = arith.constant 62499 : i32
        %min3A_153 = vector.broadcast %min3A_152 : i32 to vector<16xi32>
        %min3A_154 = arith.minsi %scan3A_116#4, %min3A_153 : vector<16xi32>
        %add3A_155 = arith.constant 4 : i32
        %add3A_156 = arith.addi %mul3A_81, %add3A_155 : i32
        %mul3A_157 = arith.constant 16 : i32
        %mul3A_158 = arith.muli %add3A_156, %mul3A_157 : i32
        %swap3A_159 = arith.index_cast %mul3A_158 : i32 to index
        %swap3A_160 = tpu.vector_load %arg9[%swap3A_159] {strides = array<i32>} : memref<800xi32, #tpu.memory_space<vmem>>, vector<16xi32>,
        tpu.vector_store %arg9[%swap3A_159], %min3A_154 {strides = array<i32>} : memref<800xi32, #tpu.memory_space<vmem>>, vector<16xi32>,
      }
      %scan3A_62 = arith.constant 10 : i32
      %dma_start3A = arith.constant 0 : i32
      %dma_start3A_63 = arith.constant 0 : i32
      %dma_start3A_64 = tpu.memref_slice %arg3[%dma_start3A, %dma_start3A_63] : memref<62500x16xf32, #tpu.memory_space<hbm>> -> memref<62500x16xf32, #tpu.memory_space<hbm>>
      tpu.enqueue_indirect_dma source(%dma_start3A_64 : memref<62500x16xf32, #tpu.memory_space<hbm>>) target(%arg10 : memref<800x16xf32, #tpu.memory_space<vmem>>) offsets(%arg9 : memref<800xi32, #tpu.memory_space<vmem>>) semaphore(%arg13 : memref<!tpu.dma_semaphore, #tpu.memory_space<semaphore_mem>>)
      %dma_wait3A = arith.constant 0 : i32
      %dma_wait3A_65 = arith.constant 0 : i32
      %dma_wait3A_66 = tpu.memref_slice %arg3[%dma_wait3A, %dma_wait3A_65] : memref<62500x16xf32, #tpu.memory_space<hbm>> -> memref<62500x16xf32, #tpu.memory_space<hbm>>
      tpu.wait_indirect_dma semaphore(%arg13 : memref<!tpu.dma_semaphore, #tpu.memory_space<semaphore_mem>>) src(%dma_wait3A_66 : memref<62500x16xf32, #tpu.memory_space<hbm>>) dst(%arg10 : memref<800x16xf32, #tpu.memory_space<vmem>>)
      %scan3A_67 = arith.constant 0 : i32
      %scan3A_68 = arith.constant 0 : i32
      %scan3A_69 = arith.constant 10 : i32
      %scan3A_70 = arith.addi %scan3A_68, %scan3A_69 : i32
      %scan3A_71 = arith.constant 1 : i32
      scf.for %scan3A_79 = %scan3A_68 to %scan3A_70 step %scan3A_71  : i32 {
        %mul3A_80 = arith.constant 5 : i32
        %mul3A_81 = arith.muli %scan3A_79, %mul3A_80 : i32
        %add3A_82 = arith.constant 0 : i32
        %add3A_83 = arith.addi %mul3A_81, %add3A_82 : i32
        %mul3A_84 = arith.constant 16 : i32
        %mul3A_85 = arith.muli %add3A_83, %mul3A_84 : i32
        %get3A = arith.index_cast %mul3A_85 : i32 to index
        %get3A_86 = tpu.vector_load %arg8[%get3A] {strides = array<i32>} : memref<800xf32, #tpu.memory_space<vmem>>, vector<16xf32>,
        %add3A_87 = arith.constant 1 : i32
        %add3A_88 = arith.addi %mul3A_81, %add3A_87 : i32
        %mul3A_89 = arith.constant 16 : i32
        %mul3A_90 = arith.muli %add3A_88, %mul3A_89 : i32
        %get3A_91 = arith.index_cast %mul3A_90 : i32 to index
        %get3A_92 = tpu.vector_load %arg8[%get3A_91] {strides = array<i32>} : memref<800xf32, #tpu.memory_space<vmem>>, vector<16xf32>,
        %add3A_93 = arith.constant 2 : i32
        %add3A_94 = arith.addi %mul3A_81, %add3A_93 : i32
        %mul3A_95 = arith.constant 16 : i32
        %mul3A_96 = arith.muli %add3A_94, %mul3A_95 : i32
        %get3A_97 = arith.index_cast %mul3A_96 : i32 to index
        %get3A_98 = tpu.vector_load %arg8[%get3A_97] {strides = array<i32>} : memref<800xf32, #tpu.memory_space<vmem>>, vector<16xf32>,
        %add3A_99 = arith.constant 3 : i32
        %add3A_100 = arith.addi %mul3A_81, %add3A_99 : i32
        %mul3A_101 = arith.constant 16 : i32
        %mul3A_102 = arith.muli %add3A_100, %mul3A_101 : i32
        %get3A_103 = arith.index_cast %mul3A_102 : i32 to index
        %get3A_104 = tpu.vector_load %arg8[%get3A_103] {strides = array<i32>} : memref<800xf32, #tpu.memory_space<vmem>>, vector<16xf32>,
        %add3A_105 = arith.constant 4 : i32
        %add3A_106 = arith.addi %mul3A_81, %add3A_105 : i32
        %mul3A_107 = arith.constant 16 : i32
        %mul3A_108 = arith.muli %add3A_106, %mul3A_107 : i32
        %get3A_109 = arith.index_cast %mul3A_108 : i32 to index
        %get3A_110 = tpu.vector_load %arg8[%get3A_109] {strides = array<i32>} : memref<800xf32, #tpu.memory_space<vmem>>, vector<16xf32>,
        %add3A_111 = arith.constant 0 : i32
        %add3A_112 = arith.addi %mul3A_81, %add3A_111 : i32
        %mul3A_113 = arith.constant 16 : i32
        %mul3A_114 = arith.muli %add3A_112, %mul3A_113 : i32
        %add3A_115 = vector.broadcast %mul3A_114 : i32 to vector<16xi32>
        %add3A_116 = arith.addi %add3A_115, %iota3A : vector<16xi32>
        %add3A_117 = arith.constant 1 : i32
        %add3A_118 = arith.addi %mul3A_81, %add3A_117 : i32
        %mul3A_119 = arith.constant 16 : i32
        %mul3A_120 = arith.muli %add3A_118, %mul3A_119 : i32
        %add3A_121 = vector.broadcast %mul3A_120 : i32 to vector<16xi32>
        %add3A_122 = arith.addi %add3A_121, %iota3A : vector<16xi32>
        %add3A_123 = arith.constant 2 : i32
        %add3A_124 = arith.addi %mul3A_81, %add3A_123 : i32
        %mul3A_125 = arith.constant 16 : i32
        %mul3A_126 = arith.muli %add3A_124, %mul3A_125 : i32
        %add3A_127 = vector.broadcast %mul3A_126 : i32 to vector<16xi32>
        %add3A_128 = arith.addi %add3A_127, %iota3A : vector<16xi32>
        %add3A_129 = arith.constant 3 : i32
        %add3A_130 = arith.addi %mul3A_81, %add3A_129 : i32
        %mul3A_131 = arith.constant 16 : i32
        %mul3A_132 = arith.muli %add3A_130, %mul3A_131 : i32
        %add3A_133 = vector.broadcast %mul3A_132 : i32 to vector<16xi32>
        %add3A_134 = arith.addi %add3A_133, %iota3A : vector<16xi32>
        %add3A_135 = arith.constant 4 : i32
        %add3A_136 = arith.addi %mul3A_81, %add3A_135 : i32
        %mul3A_137 = arith.constant 16 : i32
        %mul3A_138 = arith.muli %add3A_136, %mul3A_137 : i32
        %add3A_139 = vector.broadcast %mul3A_138 : i32 to vector<16xi32>
        %add3A_140 = arith.addi %add3A_139, %iota3A : vector<16xi32>
        %broadcast_in_dim3A = arith.constant 0 : i32
        %broadcast_in_dim3A_141 = vector.broadcast %broadcast_in_dim3A : i32 to vector<16xi32>
        %scan3A_142 = arith.constant 0 : i32
        %scan3A_143 = arith.constant 16 : i32
        %scan3A_144 = arith.addi %scan3A_142, %scan3A_143 : i32
        %scan3A_145 = arith.constant 1 : i32
        %scan3A_146:5 = scf.for %scan3A_241 = %scan3A_142 to %scan3A_144 step %scan3A_145 iter_args(%scan3A_242 = %broadcast_in_dim3A_141, %scan3A_243 = %broadcast_in_dim3A_141, %scan3A_244 = %broadcast_in_dim3A_141, %scan3A_245 = %broadcast_in_dim3A_141, %scan3A_246 = %broadcast_in_dim3A_141) -> (vector<16xi32>, vector<16xi32>, vector<16xi32>, vector<16xi32>, vector<16xi32>)  : i32 {
          %broadcast_in_dim3A_247 = arith.constant 0 : i32
          %broadcast_in_dim3A_248 = vector.broadcast %broadcast_in_dim3A_247 : i32 to vector<16xi32>
          %add3A_249 = vector.broadcast %scan3A_241 : i32 to vector<16xi32>
          %add3A_250 = arith.addi %broadcast_in_dim3A_248, %add3A_249 : vector<16xi32>
          %gather3A = tpu.vector_load_idx %arg10[%add3A_116, %add3A_250] : memref<800x16xf32, #tpu.memory_space<vmem>>[vector<16xi32>, vector<16xi32>], vector<16xf32>,
          %gather3A_251 = tpu.vector_load_idx %arg10[%add3A_122, %add3A_250] : memref<800x16xf32, #tpu.memory_space<vmem>>[vector<16xi32>, vector<16xi32>], vector<16xf32>,
          %gather3A_252 = tpu.vector_load_idx %arg10[%add3A_128, %add3A_250] : memref<800x16xf32, #tpu.memory_space<vmem>>[vector<16xi32>, vector<16xi32>], vector<16xf32>,
          %gather3A_253 = tpu.vector_load_idx %arg10[%add3A_134, %add3A_250] : memref<800x16xf32, #tpu.memory_space<vmem>>[vector<16xi32>, vector<16xi32>], vector<16xf32>,
          %gather3A_254 = tpu.vector_load_idx %arg10[%add3A_140, %add3A_250] : memref<800x16xf32, #tpu.memory_space<vmem>>[vector<16xi32>, vector<16xi32>], vector<16xf32>,
          %lt3A = arith.cmpf olt, %gather3A, %get3A_86 : vector<16xf32>
          %jit3A_255 = arith.constant 1 : i32
          %jit3A_256 = arith.constant 0 : i32
          %broadcast_in_dim3A_257 = vector.broadcast %jit3A_255 : i32 to vector<16xi32>
          %broadcast_in_dim3A_258 = vector.broadcast %jit3A_256 : i32 to vector<16xi32>
          %select_n3A_259 = arith.select %lt3A, %broadcast_in_dim3A_257, %broadcast_in_dim3A_258 : vector<16xi1>, vector<16xi32>
          %add3A_260 = arith.addi %scan3A_242, %select_n3A_259 : vector<16xi32>
          %lt3A_261 = arith.cmpf olt, %gather3A_251, %get3A_92 : vector<16xf32>
          %jit3A_262 = arith.constant 1 : i32
          %jit3A_263 = arith.constant 0 : i32
          %broadcast_in_dim3A_264 = vector.broadcast %jit3A_262 : i32 to vector<16xi32>
          %broadcast_in_dim3A_265 = vector.broadcast %jit3A_263 : i32 to vector<16xi32>
          %select_n3A_266 = arith.select %lt3A_261, %broadcast_in_dim3A_264, %broadcast_in_dim3A_265 : vector<16xi1>, vector<16xi32>
          %add3A_267 = arith.addi %scan3A_243, %select_n3A_266 : vector<16xi32>
          %lt3A_268 = arith.cmpf olt, %gather3A_252, %get3A_98 : vector<16xf32>
          %jit3A_269 = arith.constant 1 : i32
          %jit3A_270 = arith.constant 0 : i32
          %broadcast_in_dim3A_271 = vector.broadcast %jit3A_269 : i32 to vector<16xi32>
          %broadcast_in_dim3A_272 = vector.broadcast %jit3A_270 : i32 to vector<16xi32>
          %select_n3A_273 = arith.select %lt3A_268, %broadcast_in_dim3A_271, %broadcast_in_dim3A_272 : vector<16xi1>, vector<16xi32>
          %add3A_274 = arith.addi %scan3A_244, %select_n3A_273 : vector<16xi32>
          %lt3A_275 = arith.cmpf olt, %gather3A_253, %get3A_104 : vector<16xf32>
          %jit3A_276 = arith.constant 1 : i32
          %jit3A_277 = arith.constant 0 : i32
          %broadcast_in_dim3A_278 = vector.broadcast %jit3A_276 : i32 to vector<16xi32>
          %broadcast_in_dim3A_279 = vector.broadcast %jit3A_277 : i32 to vector<16xi32>
          %select_n3A_280 = arith.select %lt3A_275, %broadcast_in_dim3A_278, %broadcast_in_dim3A_279 : vector<16xi1>, vector<16xi32>
          %add3A_281 = arith.addi %scan3A_245, %select_n3A_280 : vector<16xi32>
          %lt3A_282 = arith.cmpf olt, %gather3A_254, %get3A_110 : vector<16xf32>
          %jit3A_283 = arith.constant 1 : i32
          %jit3A_284 = arith.constant 0 : i32
          %broadcast_in_dim3A_285 = vector.broadcast %jit3A_283 : i32 to vector<16xi32>
          %broadcast_in_dim3A_286 = vector.broadcast %jit3A_284 : i32 to vector<16xi32>
          %select_n3A_287 = arith.select %lt3A_282, %broadcast_in_dim3A_285, %broadcast_in_dim3A_286 : vector<16xi1>, vector<16xi32>
          %add3A_288 = arith.addi %scan3A_246, %select_n3A_287 : vector<16xi32>
          scf.yield %add3A_260, %add3A_267, %add3A_274, %add3A_281, %add3A_288 : vector<16xi32>, vector<16xi32>, vector<16xi32>, vector<16xi32>, vector<16xi32>
        }
        %scan3A_147 = arith.constant 16 : i32
        %add3A_148 = arith.constant 0 : i32
        %add3A_149 = arith.addi %mul3A_81, %add3A_148 : i32
        %mul3A_150 = arith.constant 16 : i32
        %mul3A_151 = arith.muli %add3A_149, %mul3A_150 : i32
        %get3A_152 = arith.index_cast %mul3A_151 : i32 to index
        %get3A_153 = tpu.vector_load %arg9[%get3A_152] {strides = array<i32>} : memref<800xi32, #tpu.memory_space<vmem>>, vector<16xi32>,
        %mul3A_154 = arith.constant 16 : i32
        %mul3A_155 = vector.broadcast %mul3A_154 : i32 to vector<16xi32>
        %mul3A_156 = arith.muli %get3A_153, %mul3A_155 : vector<16xi32>
        %add3A_157 = arith.addi %mul3A_156, %scan3A_146#0 : vector<16xi32>
        %min3A = arith.constant 999999 : i32
        %min3A_158 = vector.broadcast %min3A : i32 to vector<16xi32>
        %min3A_159 = arith.minsi %add3A_157, %min3A_158 : vector<16xi32>
        %add3A_160 = arith.constant 0 : i32
        %add3A_161 = arith.addi %mul3A_81, %add3A_160 : i32
        %mul3A_162 = arith.constant 16 : i32
        %mul3A_163 = arith.muli %add3A_161, %mul3A_162 : i32
        %swap3A = arith.index_cast %mul3A_163 : i32 to index
        %swap3A_164 = tpu.vector_load %arg11[%swap3A] {strides = array<i32>} : memref<800xi32, #tpu.memory_space<vmem>>, vector<16xi32>,
        tpu.vector_store %arg11[%swap3A], %min3A_159 {strides = array<i32>} : memref<800xi32, #tpu.memory_space<vmem>>, vector<16xi32>,
        %add3A_165 = arith.constant 1 : i32
        %add3A_166 = arith.addi %mul3A_81, %add3A_165 : i32
        %mul3A_167 = arith.constant 16 : i32
        %mul3A_168 = arith.muli %add3A_166, %mul3A_167 : i32
        %get3A_169 = arith.index_cast %mul3A_168 : i32 to index
        %get3A_170 = tpu.vector_load %arg9[%get3A_169] {strides = array<i32>} : memref<800xi32, #tpu.memory_space<vmem>>, vector<16xi32>,
        %mul3A_171 = arith.constant 16 : i32
        %mul3A_172 = vector.broadcast %mul3A_171 : i32 to vector<16xi32>
        %mul3A_173 = arith.muli %get3A_170, %mul3A_172 : vector<16xi32>
        %add3A_174 = arith.addi %mul3A_173, %scan3A_146#1 : vector<16xi32>
        %min3A_175 = arith.constant 999999 : i32
        %min3A_176 = vector.broadcast %min3A_175 : i32 to vector<16xi32>
        %min3A_177 = arith.minsi %add3A_174, %min3A_176 : vector<16xi32>
        %add3A_178 = arith.constant 1 : i32
        %add3A_179 = arith.addi %mul3A_81, %add3A_178 : i32
        %mul3A_180 = arith.constant 16 : i32
        %mul3A_181 = arith.muli %add3A_179, %mul3A_180 : i32
        %swap3A_182 = arith.index_cast %mul3A_181 : i32 to index
        %swap3A_183 = tpu.vector_load %arg11[%swap3A_182] {strides = array<i32>} : memref<800xi32, #tpu.memory_space<vmem>>, vector<16xi32>,
        tpu.vector_store %arg11[%swap3A_182], %min3A_177 {strides = array<i32>} : memref<800xi32, #tpu.memory_space<vmem>>, vector<16xi32>,
        %add3A_184 = arith.constant 2 : i32
        %add3A_185 = arith.addi %mul3A_81, %add3A_184 : i32
        %mul3A_186 = arith.constant 16 : i32
        %mul3A_187 = arith.muli %add3A_185, %mul3A_186 : i32
        %get3A_188 = arith.index_cast %mul3A_187 : i32 to index
        %get3A_189 = tpu.vector_load %arg9[%get3A_188] {strides = array<i32>} : memref<800xi32, #tpu.memory_space<vmem>>, vector<16xi32>,
        %mul3A_190 = arith.constant 16 : i32
        %mul3A_191 = vector.broadcast %mul3A_190 : i32 to vector<16xi32>
        %mul3A_192 = arith.muli %get3A_189, %mul3A_191 : vector<16xi32>
        %add3A_193 = arith.addi %mul3A_192, %scan3A_146#2 : vector<16xi32>
        %min3A_194 = arith.constant 999999 : i32
        %min3A_195 = vector.broadcast %min3A_194 : i32 to vector<16xi32>
        %min3A_196 = arith.minsi %add3A_193, %min3A_195 : vector<16xi32>
        %add3A_197 = arith.constant 2 : i32
        %add3A_198 = arith.addi %mul3A_81, %add3A_197 : i32
        %mul3A_199 = arith.constant 16 : i32
        %mul3A_200 = arith.muli %add3A_198, %mul3A_199 : i32
        %swap3A_201 = arith.index_cast %mul3A_200 : i32 to index
        %swap3A_202 = tpu.vector_load %arg11[%swap3A_201] {strides = array<i32>} : memref<800xi32, #tpu.memory_space<vmem>>, vector<16xi32>,
        tpu.vector_store %arg11[%swap3A_201], %min3A_196 {strides = array<i32>} : memref<800xi32, #tpu.memory_space<vmem>>, vector<16xi32>,
        %add3A_203 = arith.constant 3 : i32
        %add3A_204 = arith.addi %mul3A_81, %add3A_203 : i32
        %mul3A_205 = arith.constant 16 : i32
        %mul3A_206 = arith.muli %add3A_204, %mul3A_205 : i32
        %get3A_207 = arith.index_cast %mul3A_206 : i32 to index
        %get3A_208 = tpu.vector_load %arg9[%get3A_207] {strides = array<i32>} : memref<800xi32, #tpu.memory_space<vmem>>, vector<16xi32>,
        %mul3A_209 = arith.constant 16 : i32
        %mul3A_210 = vector.broadcast %mul3A_209 : i32 to vector<16xi32>
        %mul3A_211 = arith.muli %get3A_208, %mul3A_210 : vector<16xi32>
        %add3A_212 = arith.addi %mul3A_211, %scan3A_146#3 : vector<16xi32>
        %min3A_213 = arith.constant 999999 : i32
        %min3A_214 = vector.broadcast %min3A_213 : i32 to vector<16xi32>
        %min3A_215 = arith.minsi %add3A_212, %min3A_214 : vector<16xi32>
        %add3A_216 = arith.constant 3 : i32
        %add3A_217 = arith.addi %mul3A_81, %add3A_216 : i32
        %mul3A_218 = arith.constant 16 : i32
        %mul3A_219 = arith.muli %add3A_217, %mul3A_218 : i32
        %swap3A_220 = arith.index_cast %mul3A_219 : i32 to index
        %swap3A_221 = tpu.vector_load %arg11[%swap3A_220] {strides = array<i32>} : memref<800xi32, #tpu.memory_space<vmem>>, vector<16xi32>,
        tpu.vector_store %arg11[%swap3A_220], %min3A_215 {strides = array<i32>} : memref<800xi32, #tpu.memory_space<vmem>>, vector<16xi32>,
        %add3A_222 = arith.constant 4 : i32
        %add3A_223 = arith.addi %mul3A_81, %add3A_222 : i32
        %mul3A_224 = arith.constant 16 : i32
        %mul3A_225 = arith.muli %add3A_223, %mul3A_224 : i32
        %get3A_226 = arith.index_cast %mul3A_225 : i32 to index
        %get3A_227 = tpu.vector_load %arg9[%get3A_226] {strides = array<i32>} : memref<800xi32, #tpu.memory_space<vmem>>, vector<16xi32>,
        %mul3A_228 = arith.constant 16 : i32
        %mul3A_229 = vector.broadcast %mul3A_228 : i32 to vector<16xi32>
        %mul3A_230 = arith.muli %get3A_227, %mul3A_229 : vector<16xi32>
        %add3A_231 = arith.addi %mul3A_230, %scan3A_146#4 : vector<16xi32>
        %min3A_232 = arith.constant 999999 : i32
        %min3A_233 = vector.broadcast %min3A_232 : i32 to vector<16xi32>
        %min3A_234 = arith.minsi %add3A_231, %min3A_233 : vector<16xi32>
        %add3A_235 = arith.constant 4 : i32
        %add3A_236 = arith.addi %mul3A_81, %add3A_235 : i32
        %mul3A_237 = arith.constant 16 : i32
        %mul3A_238 = arith.muli %add3A_236, %mul3A_237 : i32
        %swap3A_239 = arith.index_cast %mul3A_238 : i32 to index
        %swap3A_240 = tpu.vector_load %arg11[%swap3A_239] {strides = array<i32>} : memref<800xi32, #tpu.memory_space<vmem>>, vector<16xi32>,
        tpu.vector_store %arg11[%swap3A_239], %min3A_234 {strides = array<i32>} : memref<800xi32, #tpu.memory_space<vmem>>, vector<16xi32>,
      }
      %scan3A_72 = arith.constant 10 : i32
      %dma_start3A_73 = arith.constant 0 : i32
      %dma_start3A_74 = arith.constant 0 : i32
      %dma_start3A_75 = tpu.memref_slice %arg5[%dma_start3A_73, %dma_start3A_74] : memref<1000000x16xf32, #tpu.memory_space<hbm>> -> memref<1000000x16xf32, #tpu.memory_space<hbm>>
      tpu.enqueue_indirect_dma source(%dma_start3A_75 : memref<1000000x16xf32, #tpu.memory_space<hbm>>) target(%arg12 : memref<800x16xf32, #tpu.memory_space<vmem>>) offsets(%arg11 : memref<800xi32, #tpu.memory_space<vmem>>) semaphore(%arg13 : memref<!tpu.dma_semaphore, #tpu.memory_space<semaphore_mem>>)
      %dma_wait3A_76 = arith.constant 0 : i32
      %dma_wait3A_77 = arith.constant 0 : i32
      %dma_wait3A_78 = tpu.memref_slice %arg5[%dma_wait3A_76, %dma_wait3A_77] : memref<1000000x16xf32, #tpu.memory_space<hbm>> -> memref<1000000x16xf32, #tpu.memory_space<hbm>>
      tpu.wait_indirect_dma semaphore(%arg13 : memref<!tpu.dma_semaphore, #tpu.memory_space<semaphore_mem>>) src(%dma_wait3A_78 : memref<1000000x16xf32, #tpu.memory_space<hbm>>) dst(%arg12 : memref<800x16xf32, #tpu.memory_space<vmem>>)
      "tpu.region"() ({
        %run_scoped3A = tpu.sem_alloc : memref<!tpu.dma_semaphore, #tpu.memory_space<semaphore_mem>>
        %dma_start3A_79 = arith.constant 0 : i32
        %dma_start3A_80 = tpu.memref_slice %arg6[%mul3A_57, %dma_start3A_79] : memref<1000000x16xf32, #tpu.memory_space<hbm>> -> memref<800x16xf32, #tpu.memory_space<hbm>>
        %dma_start3A_81 = arith.constant 0 : i32
        %dma_start3A_82 = tpu.memref_slice %arg6[%mul3A_57, %dma_start3A_81] : memref<1000000x16xf32, #tpu.memory_space<hbm>> -> memref<800x16xf32, #tpu.memory_space<hbm>>
        tpu.enqueue_dma source(%arg12 : memref<800x16xf32, #tpu.memory_space<vmem>>) target(%dma_start3A_82 : memref<800x16xf32, #tpu.memory_space<hbm>>) target_semaphore(%run_scoped3A : memref<!tpu.dma_semaphore, #tpu.memory_space<semaphore_mem>>)
        %dma_wait3A_83 = arith.constant 0 : i32
        %dma_wait3A_84 = tpu.memref_slice %arg6[%mul3A_57, %dma_wait3A_83] : memref<1000000x16xf32, #tpu.memory_space<hbm>> -> memref<800x16xf32, #tpu.memory_space<hbm>>
        %dma_wait3A_85 = arith.constant 0 : i32
        %dma_wait3A_86 = tpu.memref_slice %arg6[%mul3A_57, %dma_wait3A_85] : memref<1000000x16xf32, #tpu.memory_space<hbm>> -> memref<800x16xf32, #tpu.memory_space<hbm>>
        tpu.wait_dma2 semaphore(%run_scoped3A : memref<!tpu.dma_semaphore, #tpu.memory_space<semaphore_mem>>) src(%arg12 : memref<800x16xf32, #tpu.memory_space<vmem>>) dst(%dma_wait3A_86 : memref<800x16xf32, #tpu.memory_space<hbm>>)
        tpu.yield
      }) : () -> ()
    }
    return
  }
}

</mosaic_0001>

<sc_bundles>
// kernel: kernel.3.cloned.1.call-start
scs
__scs_entry_jumppad:
0x0: {  	(pc) =	sbr.rel $0x88, $3  }
0x1: {  	(tag) =	ssettag $0x0;
	lr =	simm.s32 $0x1  }
0x2: {  	[smem:$0x3F9B] =	sst lr;
	_ =	strace $0xD0000000  }
0x3: {  	_ = 	snop  }
0x4: {  	_ = 	snop  }
0x5: {  	_ = 	snop  }
0x6: {  	_ = 	snop  }
0x7: {  	_ = 	snop  }
__scs_overlays_trampoline_lowered:
0x8: {  	[smem:$0x3FAA] =	sst s0  }
0x9: {  	[smem:$0x3FAB] =	sst s1  }
0xa: {  	[smem:$0x3FAC] =	sst s2  }
0xb: {  	[smem:$0x3FAD] =	sst s3  }
0xc: {  	[smem:$0x3FAE] =	sst s4  }
0xd: {  	[smem:$0x3FAF] =	sst s5  }
0xe: {  	[smem:$0x3FB0] =	sst s6  }
0xf: {  	[smem:$0x3FB1] =	sst s7  }
0x10: {  	[smem:$0x3FB2] =	sst s8  }
0x11: {  	[smem:$0x3FB3] =	sst s9;
	s0 =	simm.s32 @!p0 $0x0  }
0x12: {  	s1 =	sld [smem:$0x3F99];
	s0 =	simm.s32 @p0 $0x1  }
0x13: {  	[smem:$0x3FB4] =	sst s0;
	s0 =	simm.s32 @!p1 $0x0  }
0x14: {  	s2 =	sld [smem:$0x3F98];
	s0 =	simm.s32 @p1 $0x1  }
0x15: {  	[smem:$0x3FB5] =	sst s0;
	s0 =	simm.s32 @!p2 $0x0  }
0x16: {  	s3 =	sld [smem:$0x3FDB];
	s0 =	simm.s32 @p2 $0x1  }
0x17: {  	s4 =	simm.s32 $0x1BF5;
	[smem:$0x3FB7] =	sst s0  }
0x18: {  	s0 =	sld [smem:$0x3F9A];
	_ =	swait.ge [sflag:s4], $0x0  }
0x19: {  	s7 =	sld [smem:$0x3F9B]  }
0x1a: {  	s8 =	sadd.s32 $0xFFFFE003, lr  }
0x1b: {  	s9 =	sadd.s32 $0xFFFFFEF7, lr;
	s5 =	simm.s32 $0xFFFFFFFF;
	p2 =	slt.u32 s8, $0xFFFFF086  }
0x1c: {  	p1 =	slt.u32 s9, $0xF7A;
	s5 =	simm.s32 @!p2 $0x0  }
0x1d: {  	s5 =	simm.s32 @p1 $0x1;
	p0 =	seq.s32 s7, s2  }
0x1e: {  	s7 =	smul.u32 @!p0 $0xF7A, s2;
	p2 =	seq.s32 @!p0 s5, $0x0  }
0x1f: {  	s9 =	smul.u32 $0xF7A, s1;
	s8 =	simm.s32 @!p0 $0x1BF5;
	p2 =	por !p2, p0  }
0x20: {  	[sflag:s8] =	ssyncset.s32 @!p0 $0xFFFFF086;
	s6 =	sadd.s32 @!p0 s3, s7;
	s7 =	simm.s32 @!p0 $0x108  }
0x21: {  	s3 =	sadd.s32 s3, s9;
	s6 =	sadd.s32 @!p0 $0x88, s6;
	s7 =	simm.s32 @p2 $0x1082  }
0x22: {  	[simem:s7], [sflag:s8] =	dma.local @!p0 [hbm:s6], $0xF7A  }
0x23: {  	s9 =	sor.u32 $0xD0000000, s2;
	s6 =	simm.s32 $0x108;
	_ =	swait.ge @!p0 [sflag:s8], $0x0  }
0x24: {  	s3 =	sadd.s32 $0x88, s3;
	s6 =	simm.s32 @!p1 $0x1082;
	[sflag:s4] =	ssyncset.s32 $0xFFFFF086  }
0x25: {  	[simem:s6], [sflag:s4] =	dma.local [hbm:s3], $0xF7A  }
0x26: {  	[smem:$0x3F9B] =	sst s1;
	(tag) =	ssettag s2;
	_ =	strace s9  }
0x27: {  	s1 =	sld [smem:$0x3FAB]  }
0x28: {  	s2 =	sld [smem:$0x3FAC]  }
0x29: {  	s4 =	sld [smem:$0x3FAE]  }
0x2a: {  	p0 =	seq.s32 s5, $0x0;
	s5 =	sld [smem:$0x3FAF]  }
0x2b: {  	s6 =	sld [smem:$0x3FB0]  }
0x2c: {  	s7 =	sld [smem:$0x3FB1]  }
0x2d: {  	s3 =	simm.s32 $0x108;
	s8 =	sld [smem:$0x3FB2]  }
0x2e: {  	s3 =	simm.s32 @!p0 $0x1082;
	s9 =	sld [smem:$0x3FB3]  }
0x2f: {  	lr =	sadd.s32 s0, s3;
	s0 =	sld [smem:$0x3FAA]  }
0x30: {  	s3 =	sld [smem:$0x3FAD]  }
0x31: {  	[smem:$0x3FB6] =	sst s10  }
0x32: {  	s10 =	sld [smem:$0x3FB4];
	_ =	sdelay $0x3  }
0x33: {  	p0 =	seq.s32 s10, $0x1;
	s10 =	sld [smem:$0x3FB6];
	_ =	sdelay $0x3  }
0x34: {  	[smem:$0x3FB6] =	sst s10  }
0x35: {  	s10 =	sld [smem:$0x3FB5];
	_ =	sdelay $0x3  }
0x36: {  	p1 =	seq.s32 s10, $0x1;
	s10 =	sld [smem:$0x3FB6];
	_ =	sdelay $0x3  }
0x37: {  	[smem:$0x3FB6] =	sst s10  }
0x38: {  	s10 =	sld [smem:$0x3FB7]  }
0x39: {  	_ = 	snop;
	(pc) =	sbr.ind lr, $3  }
0x3a: {  	_ = 	snop  }
0x3b: {  	_ = 	snop  }
0x3c: {  	p2 =	seq.s32 s10, $0x1;
	s10 =	sld [smem:$0x3FB6]  }
0x3d: {  	_ =	shalt  }
0x3e: {  	_ =	shalt  }
0x3f: {  	_ =	shalt  }
0x40: {  	_ =	shalt  }
0x41: {  	_ =	shalt  }
0x42: {  	_ =	shalt  }
0x43: {  	_ =	shalt  }
0x44: {  	_ =	shalt  }
0x45: {  	_ =	shalt  }
0x46: {  	_ =	shalt  }
0x47: {  	_ =	shalt  }
0x48: {  	_ =	shalt  }
0x49: {  	_ =	shalt  }
0x4a: {  	_ =	shalt  }
0x4b: {  	_ =	shalt  }
0x4c: {  	_ =	shalt  }
0x4d: {  	_ =	shalt  }
0x4e: {  	_ =	shalt  }
0x4f: {  	_ =	shalt  }
0x50: {  	_ =	shalt  }
0x51: {  	_ =	shalt  }
0x52: {  	_ =	shalt  }
0x53: {  	_ =	shalt  }
0x54: {  	_ =	shalt  }
0x55: {  	_ =	shalt  }
0x56: {  	_ =	shalt  }
0x57: {  	_ =	shalt  }
0x58: {  	_ =	shalt  }
0x59: {  	_ =	shalt  }
0x5a: {  	_ =	shalt  }
0x5b: {  	_ =	shalt  }
0x5c: {  	_ =	shalt  }
0x5d: {  	_ =	shalt  }
0x5e: {  	_ =	shalt  }
0x5f: {  	_ =	shalt  }
0x60: {  	_ =	shalt  }
0x61: {  	_ =	shalt  }
0x62: {  	_ =	shalt  }
0x63: {  	_ =	shalt  }
0x64: {  	_ =	shalt  }
0x65: {  	_ =	shalt  }
0x66: {  	_ =	shalt  }
0x67: {  	_ =	shalt  }
0x68: {  	_ =	shalt  }
0x69: {  	_ =	shalt  }
0x6a: {  	_ =	shalt  }
0x6b: {  	_ =	shalt  }
0x6c: {  	_ =	shalt  }
0x6d: {  	_ =	shalt  }
0x6e: {  	_ =	shalt  }
0x6f: {  	_ =	shalt  }
0x70: {  	_ =	shalt  }
0x71: {  	_ =	shalt  }
0x72: {  	_ =	shalt  }
0x73: {  	_ =	shalt  }
0x74: {  	_ =	shalt  }
0x75: {  	_ =	shalt  }
0x76: {  	_ =	shalt  }
0x77: {  	_ =	shalt  }
0x78: {  	_ =	shalt  }
0x79: {  	_ =	shalt  }
0x7a: {  	_ =	shalt  }
0x7b: {  	_ =	shalt  }
0x7c: {  	_ =	shalt  }
0x7d: {  	_ =	shalt  }
0x7e: {  	_ =	shalt  }
0x7f: {  	_ =	shalt  }
0x80: {  	_ =	shalt  }
0x81: {  	_ =	shalt  }
0x82: {  	_ =	shalt  }
0x83: {  	_ =	shalt  }
0x84: {  	_ =	shalt  }
0x85: {  	_ =	shalt  }
0x86: {  	_ =	shalt  }
0x87: {  	_ =	shalt  }
.Lfunc_end0:
.L_simem_size_0:
called_computation.1_lowered:
.L_overlay_start_0:
0x88: {  	s2 =	sld [smem:$0x3FD9]  }
0x89: {  	s3 =	sld [smem:$0x3FFE];
	_ =	sdelay $0x1  }
0x8a: {  	s1 =	srdreg.scid  }
0x8b: {  	s0 =	sand.u32 $0x1, s1  }
0x8c: {  	s17 =	sshll.u32 s0, $0xA;
	s2 =	sadd.s32 s3, s2  }
0x8d: {  	s2 =	sadd.s32 s2, s17  }
0x8e: {  	[smem:$0x3FC2] =	sst s2  }
0x8f: {  	_ = 	snop  }
0x90: {  	s2 =	sld [smem:$0x3FC4]  }
0x91: {  	s18 =	sld [smem:$0x3FD0];
	(tm) =	ssettm $0x1  }
0x92: {  	s4 =	sld [smem:$0x3FFB];
	_ =	sdelay $0x3  }
0x93: {  	_ =	strace s4  }
0x94: {  	s4 =	sld [smem:$0x3FFC];
	_ =	sdelay $0x3  }
0x95: {  	_ =	strace s4  }
0x96: {  	s4 =	sld [smem:$0x3FFD];
	_ =	sdelay $0x3  }
0x97: {  	_ =	strace s4  }
0x98: {  	_ =	strace $0x8FFFFFFF  }
0x99: {  	s19 =	sld [smem:$0x3FDB];
	_ =	sdelay $0x1  }
0x9a: {  	s5 =	simm.s32 $_scs_section_size  }
0x9b: {  	s6 =	simm.s32 $_size__tile_overlayer_lowered;
	s7 =	simm.s32 $_tile_overlayer_lowered  }
0x9c: {  	s22 =	simm.s32 $0x1BFF;
	s21 =	sshll.u32 s7, $0x1;
	s4 =	sadd.s32 s5, s19  }
0x9d: {  	s8 =	simm.s32 $0x0;
	s20 =	sshll.u32 s6, $0x1;
	s6 =	sadd.s32 s21, s4  }
0x9e: {  	[timem:s8], [sflag:s22] =	dma.local [hbm:s6], s20  }
0x9f: {  	_ =	swait.ge [sflag:s22], s20  }
0xa0: {  	s5 =	ssub.s32 $0x0, s20;
	[sflag:s22] =	ssyncset.done $0x0  }
0xa1: {  	[sflag:s22] =	ssyncadd.s32 s5;
	_ =	sdelay $0x1  }
0xa2: {  	s23 =	simm.s32 $0x1B8B  }
0xa3: {  	_ =	swait.ge [sflag:s23], $0x1  }
0xa4: {  	[sflag:s23] =	ssyncset.done $0x0  }
0xa5: {  	s25 =	simm.s32 $0x1B8E;
	s24 =	sld [smem:$0x3FFE];
	[sflag:s23] =	ssyncadd.s32 $0xFFFFFFFF  }
0xa6: {  	s26 =	simm.s32 $execute0_lowered;
	[smem:$0x3FD2] =	sst s25  }
0xa7: {  	s6 =	sshll.u32 s26, $0x1;
	_ =	strace $0x80000046;
	[dreg:$0x1] =	wrdreg $0xFFFFFFFF  }
0xa8: {  	s28 =	simm.s32 $_size_execute0_lowered;
	s4 =	sadd.s32 s4, s6;
	[dreg:$0x0] =	wrdreg $0x0  }
0xa9: {  	s6 =	sshll.u32 s28, $0x1;
	[dreg:$0x2] =	wrdreg s4  }
0xaa: {  	[dreg:$0x3] =	wrdreg s6  }
0xab: {  	[dreg:$0x4] =	wrdreg $0xC0  }
0xac: {  	_ =	task [dreg:s8], $0x5FFFF  }
0xad: {  	[dreg:$0x1] =	wrdreg $0xFFFFFFFF  }
0xae: {  	[dreg:$0x0] =	wrdreg $0x60  }
0xaf: {  	[dreg:$0x2] =	wrdreg s24  }
0xb0: {  	[dreg:$0x3] =	wrdreg s2  }
0xb1: {  	[dreg:$0x4] =	wrdreg s18  }
0xb2: {  	[dreg:$0x5] =	wrdreg $0x9  }
0xb3: {  	_ =	task.clear_ibuf [dreg:s8], $0x6FFFF;
	_ =	strace $0x90000046  }
0xb4: {  	s29 =	simm.s32 $0x9;
	_ =	strace $0x80000048  }
0xb5: {  	_ =	swait.ge [sflag:s29], $0x1  }
0xb6: {  	[sflag:s29] =	ssyncadd.s32 $0xFFFFFFFF  }
0xb7: {  	_ =	strace $0x90000048  }
0xb8: {  	_ =	sfence  }
0xb9: {  	s30 =	sld [smem:$0x0];
	_ =	sdelay $0x2  }
0xba: {  	s31 =	sshll.u32 s1, $0xD;
	s1 =	sshrl.u32 s1, $0x2  }
0xbb: {  	s3 =	sand.u32 $0x4000, s31;
	s1 =	sadd.s32 s1, s30  }
0xbc: {  	s0 =	sor.u32 s3, s0;
	s1 =	sshll.u32 s1, $0x11  }
0xbd: {  	s0 =	sor.u32 s1, s0  }
0xbe: {  	s0 =	sadd.s32 $0x8F2B, s0  }
0xbf: {  	[sflag:s0] =	ssyncadd.remote.s32 $0x1  }
0xc0: {  	_ =	sfence.sel $0xFFFF  }
0xc1: {  	[dreg:$0x0] =	wrdreg $0xFFFFFFFF;
	(pc) =	sbr.abs _section_cstart, $3  }
0xc2: {  	[dreg:$0x1] =	wrdreg $0xFFFFFFFF  }
0xc3: {  	_ =	task.clear_ibuf [dreg:s8], $0x2FFFF;
	_ =	strace $0x9FFFFFFF  }
0xc4: {  	(tm) =	ssettm $0x7FFFFFFF  }
0xc5: {  	_ =	shalt  }
tec
execute0_lowered:
.L_overlay_start_1:
0x0: {  	(tag) =	ssettag $0x1  }
0x1: {  	s1 =	rddreg [dreg:$0x0]  }
0x2: {  	s3 =	rddreg [dreg:$0x1];
	s2 =	srdreg.scid  }
0x3: {  	s0 =	stileid.u32;
	s4 =	rddreg [dreg:$0x2];
	s5 =	simm.s32 $0x0  }
0x4: {  	s12 =	simm.s32 $0x10000;
	s13 =	simm.s32 $0x8000;
	s14 =	simm.s32 $0x320  }
0x5: {  	s15 =	simm.s32 $0x10320;
	s7 =	sand.u32 $0x1, s2;
	s6 =	sshll.u32 s0, $0x1  }
0x6: {  	s16 =	simm.s32 $0x10640;
	s17 =	simm.s32 $0x1;
	s6 =	sor.u32 s7, s6  }
0x7: {  	s18 =	simm.s32 $0x13840;
	s19 =	simm.s32 $0x13B60;
	s8 =	smul.u32 $0x4E2, s6  }
.Ltmp0:
0x8: {  	s20 =	simm.s32 $0x0;
	[smem:$0x7FF] =	sst s5;
	(pc) =	sbr.rel .LBB2_1-.Ltmp0, $4  }
0x9: {  	_ =	strace $0x80000047;
	s9 =	ssub.s32 $0x2, s7;
	s7 =	sadd.s32 $0x2000, s1  }
0xa: {  	s6 =	sadd.s32 $0xF44800, s1;
	s10 =	sshrl.u32 s9, $0x1;
	s11 =	sadd.s32 $0x4E2, s8  }
0xb: {  	v0 =	vlaneseq.u32;
	s10 =	ssub.s32 s9, s10;
	s8 =	sshrl.u32 s8, $0x5;
	s9 =	sshrl.u32 s11, $0x5  }
0xc: {  	v1 =	vimm.s32 $0x0;
	v0 =	vmul.u32 $0x10, v0;
	s10 =	smax.u32 s10, $0x1;
	s11 =	simm.s32 $0x2;
	p0 =	sge.u32 s8, s9  }
.LBB2_11:
0xd: {  	s20 =	sadd.s32 $0x1, s20  }
0xe: {  	p1 =	sne.s32 s20, s10  }
.Ltmp1:
0xf: {  	_ = 	snop;
	(pc) =	sbr.rel @!p1 .LBB2_12-.Ltmp1, $1  }
0x10: {  	_ =	sdelay $0x3  }
.LBB2_1:
.Ltmp2:
0x11: {  	(pc) =	sbr.rel @p0 .LBB2_11-.Ltmp2, $4  }
0x12: {  	[tilespmem:s5], [sflag:$0x2] =	stream.linear.gather [hbm4b:s1+s5], $0x10000, $0x38;
	[tilespmem:$0x16D60] =	vst v63  }
0x13: {  	_ =	swait.ge [sflag:s11], $0x10000  }
0x14: {  	[sflag:s11] =	ssyncset.done $0x0  }
0x15: {  	s21 =	smov.u32 s8;
	[sflag:s11] =	ssyncadd.s32 $0xFFFF0000  }
.LBB2_2:
0x16: {  	s22 =	smul.u32 $0x64, s21;
	_ =	sdelay $0x1  }
0x17: {  	s23 =	sadd.s32 s3, s22;
	s22 =	simm.s32 $0x0  }
0x18: {  	[tilespmem:s12], [sflag:$0x2] =	stream.linear.gather [hbm4b:s23+s22], $0x320, $0x38;
	[tilespmem:$0x16D60] =	vst v63  }
0x19: {  	_ =	swait.ge [sflag:s11], $0x320  }
0x1a: {  	[sflag:s11] =	ssyncset.done $0x0  }
0x1b: {  	[sflag:s11] =	ssyncadd.s32 $0xFFFFFCE0  }
.LBB2_3:
0x1c: {  	v7 =	vimm.s32 $0x0;
	s23 =	simm.s32 $0x7FFF  }
0x1d: {  	v8 =	vadd.s32 s23, v7;
	s23 =	smul.u32 $0x50, s22;
	_ =	sdelay $0x1  }
0x1e: {  	v4 =	vld [tilespmem:s23+$0x10000]  }
0x1f: {  	v6 =	vld [tilespmem:s23+$0x10040]  }
0x20: {  	v3 =	vld [tilespmem:s23+$0x10010]  }
0x21: {  	v9 =	vld.idx.msk [tilespmem:v8+s5+$0x0], $0xffff  }
0x22: {  	v2 =	vld [tilespmem:s23+$0x10020]  }
0x23: {  	v5 =	vld [tilespmem:s23+$0x10030]  }
0x24: {  	v16 =	vld.idx.msk [tilespmem:v8+s5+$0x0], $0xffff  }
0x25: {  	s24 =	simm.s32 $0x8000;
	v11 =	vimm.s32 $0x0;
	v13 =	vld.idx.msk [tilespmem:v8+s5+$0x0], $0xffff  }
0x26: {  	s30 =	simm.s32 $0x2;
	s29 =	simm.s32 $0x4000;
	v10 =	vimm.s32 $0x0;
	v12 =	vmov s24;
	s28 =	sadd.s32 $0x10, s23;
	v14 =	vld.idx.msk [tilespmem:v8+s5+$0x0], $0xffff;
	vm0 =	vlt.f32 v9, v6  }
0x27: {  	s26 =	sadd.s32 $0x20, s23;
	s24 =	sadd.s32 $0x30, s23;
	s25 =	sadd.s32 $0x40, s23;
	v15 =	vld.idx.msk [tilespmem:v8+s5+$0x0], $0xffff;
	v8 =	vimm.s32 $0x0;
	v9 =	vimm.s32 $0x0;
	v17 =	vnsel vm0, $0x0, v12  }
.LBB2_4:
0x28: {  	p1 =	sne.s32 s30, $0xF  }
0x29: {  	s31 =	sadd.s32 $0xFFFFFFFF, s29;
	vm0 =	vlt.f32 v16, v4;
	v7 =	vadd.s32 v7, v17;
	s2 =	smov.u32 s30;
	s30 =	sadd.s32 $0x1, s30  }
0x2a: {  	v16 =	vadd.s32 s31, v7;
	v17 =	vnsel vm0, $0x0, v12  }
0x2b: {  	vm0 =	vlt.f32 v13, v5;
	v11 =	vadd.s32 v11, v17  }
0x2c: {  	vm1 =	vlt.f32 v14, v2;
	v14 =	vnsel vm0, $0x0, v12;
	v13 =	vadd.s32 s31, v11  }
0x2d: {  	vm0 =	vlt.f32 v15, v3;
	v15 =	vnsel vm1, $0x0, v12;
	v10 =	vadd.s32 v10, v14  }
0x2e: {  	v14 =	vadd.s32 s31, v10;
	v12 =	vnsel vm0, $0x0, v12;
	v8 =	vadd.s32 v8, v15  }
0x2f: {  	v15 =	vadd.s32 s31, v8;
	v9 =	vadd.s32 v9, v12;
	v17 =	vld.idx.msk [tilespmem:v16+s5+$0x0], $0xffff  }
0x30: {  	v12 =	vadd.s32 s31, v9  }
0x31: {  	v16 =	vld.idx.msk [tilespmem:v13+s5+$0x0], $0xffff  }
.Ltmp3:
0x32: {  	(pc) =	sbr.rel @p1 .LBB2_4-.Ltmp3, $4  }
0x33: {  	v13 =	vld.idx.msk [tilespmem:v14+s5+$0x0], $0xffff  }
0x34: {  	v14 =	vld.idx.msk [tilespmem:v15+s5+$0x0], $0xffff  }
0x35: {  	vm0 =	vlt.f32 v17, v6;
	v15 =	vld.idx.msk [tilespmem:v12+s5+$0x0], $0xffff;
	v12 =	vmov s29  }
0x36: {  	s29 =	sshrl.u32 s13, s2;
	v17 =	vnsel vm0, $0x0, v12  }
0x37: {  	vm0 =	vlt.f32 v16, v4  }
0x38: {  	s2 =	sadd.s32 $0xFFFFFFFF, s29;
	v7 =	vadd.s32 v7, v17;
	v16 =	vnsel vm0, $0x0, v12  }
0x39: {  	v17 =	vadd.s32 s2, v7;
	vm4 =	vlt.f32 v13, v5;
	v11 =	vadd.s32 v11, v16  }
0x3a: {  	v53 =	vnsel vm4, $0x0, v12;
	vm1 =	vlt.f32 v14, v2;
	vm5 =	vlt.f32 v15, v3  }
0x3b: {  	v52 =	vadd.s32 s2, v11;
	v10 =	vadd.s32 v10, v53;
	v54 =	vnsel vm5, $0x0, v12  }
0x3c: {  	v55 =	vnsel vm1, $0x0, v12;
	v56 =	vadd.s32 s2, v10;
	v9 =	vadd.s32 v9, v54  }
0x3d: {  	v8 =	vadd.s32 v8, v55;
	v57 =	vadd.s32 s2, v9  }
0x3e: {  	v58 =	vadd.s32 s2, v8  }
0x3f: {  	v59 =	vld.idx.msk [tilespmem:v17+s5+$0x0], $0xffff  }
0x40: {  	v13 =	vld.idx.msk [tilespmem:v52+s5+$0x0], $0xffff  }
0x41: {  	v15 =	vld.idx.msk [tilespmem:v56+s5+$0x0], $0xffff  }
0x42: {  	v12 =	vld.idx.msk [tilespmem:v57+s5+$0x0], $0xffff  }
0x43: {  	v14 =	vld.idx.msk [tilespmem:v58+s5+$0x0], $0xffff;
	_ =	sdelay $0x1  }
0x44: {  	v60 =	vmov s29;
	vm6 =	vlt.f32 v59, v6;
	vm7 =	vlt.f32 v13, v4  }
0x45: {  	v61 =	vnsel vm6, $0x0, v60;
	v62 =	vnsel vm7, $0x0, v60  }
0x46: {  	vm8 =	vlt.f32 v15, v5;
	v6 =	vadd.s32 v11, v62;
	vm9 =	vlt.f32 v12, v3  }
0x47: {  	vm10 =	vlt.f32 v14, v2;
	v3 =	vnsel vm8, $0x0, v60;
	v2 =	vnsel vm9, $0x0, v60  }
0x48: {  	s22 =	sadd.s32 $0x1, s22;
	v63 =	vnsel vm10, $0x0, v60;
	vm11 =	vlt.s32 v6, $0xF423;
	v2 =	vadd.s32 v9, v2  }
0x49: {  	p1 =	sne.s32 s22, $0xA;
	v5 =	vadd.s32 v8, v63;
	v6 =	vnsel vm11, $0xF423, v6;
	vm12 =	vlt.s32 v2, $0xF423  }
.Ltmp4:
0x4a: {  	v3 =	vadd.s32 v10, v3;
	[tilespmem:s23+$0x10320] =	vst v6;
	vm13 =	vlt.s32 v5, $0xF423;
	v2 =	vnsel vm12, $0xF423, v2;
	(pc) =	sbr.rel @p1 .LBB2_3-.Ltmp4, $4  }
0x4b: {  	v4 =	vadd.s32 v7, v61;
	vm14 =	vlt.s32 v3, $0xF423;
	[tilespmem:s28+$0x10320] =	vst v2;
	v2 =	vnsel vm13, $0xF423, v5  }
0x4c: {  	vm15 =	vlt.s32 v4, $0xF423;
	[tilespmem:s26+$0x10320] =	vst v2;
	v2 =	vnsel vm14, $0xF423, v3  }
0x4d: {  	[tilespmem:s24+$0x10320] =	vst v2;
	v2 =	vnsel vm15, $0xF423, v4  }
0x4e: {  	[tilespmem:s25+$0x10320] =	vst v2  }
0x4f: {  	[tilespmem:s16], [sflag:$0x1] =	stream.indirect.gather [hbm4b:s6+s14], $0x10, s15, s14, $0xb8;
	[tilespmem:$0x16D60] =	vst v63  }
0x50: {  	_ =	swait.ge [sflag:s17], $0x3200  }
0x51: {  	[sflag:s17] =	ssyncset.done $0x0  }
0x52: {  	s22 =	simm.s32 $0x0;
	s23 =	simm.s32 $0x0;
	[sflag:s17] =	ssyncadd.s32 $0xFFFFCE00  }
.LBB2_7:
0x53: {  	s29 =	smul.u32 $0x50, s23;
	_ =	sdelay $0x1  }
0x54: {  	v5 =	vmov s22;
	s24 =	sadd.s32 $0x40, s29  }
0x55: {  	v6 =	vand.u32 $0x8, v5;
	v8 =	vand.u32 $0x7, v5;
	s26 =	sadd.s32 $0x10, s29;
	v3 =	vmov s24  }
0x56: {  	v2 =	vmov s29;
	v4 =	vmov s26;
	v3 =	vshll.u32 v3, $0x4  }
0x57: {  	v2 =	vshll.u32 v2, $0x4;
	v4 =	vshll.u32 v4, $0x4;
	v11 =	vor.u32 v0, v3  }
0x58: {  	s28 =	sadd.s32 $0x20, s29;
	v12 =	vor.u32 v0, v2;
	v13 =	vor.u32 v0, v4;
	v2 =	vor.u32 v11, v6  }
0x59: {  	s25 =	sadd.s32 $0x30, s29;
	v3 =	vor.u32 v12, v6;
	v10 =	vor.u32 v8, v2;
	v2 =	vmov s28  }
0x5a: {  	v9 =	vld [tilespmem:s29+$0x10000];
	v14 =	vor.u32 v8, v3;
	v3 =	vmov s25;
	v2 =	vshll.u32 v2, $0x4  }
0x5b: {  	v7 =	vld [tilespmem:s29+$0x10010];
	v4 =	vor.u32 v13, v6;
	v3 =	vshll.u32 v3, $0x4;
	v15 =	vor.u32 v0, v2  }
0x5c: {  	v5 =	vld [tilespmem:s29+$0x10020];
	v18 =	vor.u32 v8, v4;
	v16 =	vor.u32 v0, v3;
	v17 =	vor.u32 v15, v6  }
0x5d: {  	v4 =	vld [tilespmem:s29+$0x10030];
	v19 =	vor.u32 v16, v6;
	v20 =	vor.u32 v8, v17  }
0x5e: {  	v2 =	vld [tilespmem:s29+$0x10040];
	v19 =	vor.u32 v8, v19  }
0x5f: {  	s2 =	simm.s32 $0x1;
	v21 =	vld.idx.msk [tilespmem:v14+s16+$0x0], $0xffff  }
0x60: {  	v22 =	vmov s2;
	v3 =	vimm.s32 $0x0;
	v17 =	vimm.s32 $0x0;
	v6 =	vld.idx.msk [tilespmem:v10+s16+$0x0], $0xffff  }
0x61: {  	s30 =	simm.s32 $0x2;
	v14 =	vimm.s32 $0x0;
	v8 =	vimm.s32 $0x0;
	v18 =	vld.idx.msk [tilespmem:v18+s16+$0x0], $0xffff;
	v10 =	vimm.s32 $0x0  }
.LBB2_8:
0x62: {  	p1 =	sne.s32 s30, $0xF;
	v23 =	vand.u32 $0x8, v22;
	v24 =	vld.idx.msk [tilespmem:v20+s16+$0x0], $0xffff  }
0x63: {  	v22 =	vand.u32 $0x7, v22;
	v20 =	vor.u32 v12, v23;
	v25 =	vor.u32 v11, v23;
	v26 =	vld.idx.msk [tilespmem:v19+s16+$0x0], $0xffff  }
0x64: {  	v19 =	vor.u32 v13, v23;
	v27 =	vor.u32 v15, v23;
	v25 =	vor.u32 v22, v25  }
0x65: {  	v23 =	vor.u32 v16, v23;
	v28 =	vor.u32 v22, v20;
	vm0 =	vlt.f32 v6, v2  }
0x66: {  	v29 =	vor.u32 v22, v19;
	v20 =	vor.u32 v22, v27;
	v6 =	vsel vm0, $0x1, v1  }
.Ltmp5:
0x67: {  	v19 =	vor.u32 v22, v23;
	vm0 =	vlt.f32 v21, v9;
	v3 =	vadd.s32 v6, v3;
	(pc) =	sbr.rel @p1 .LBB2_8-.Ltmp5, $4  }
0x68: {  	v22 =	vsel vm0, $0x1, v1;
	vm0 =	vlt.f32 v18, v7;
	vm1 =	vlt.f32 v24, v5  }
0x69: {  	v18 =	vsel vm0, $0x1, v1;
	v23 =	vsel vm1, $0x1, v1;
	vm0 =	vlt.f32 v26, v4;
	v6 =	vld.idx.msk [tilespmem:v25+s16+$0x0], $0xffff  }
0x6a: {  	v17 =	vadd.s32 v22, v17;
	v14 =	vadd.s32 v18, v14;
	v24 =	vsel vm0, $0x1, v1;
	v21 =	vld.idx.msk [tilespmem:v28+s16+$0x0], $0xffff  }
0x6b: {  	v22 =	vmov s30;
	s30 =	sadd.s32 $0x1, s30;
	v10 =	vadd.s32 v23, v10;
	v8 =	vadd.s32 v24, v8;
	v18 =	vld.idx.msk [tilespmem:v29+s16+$0x0], $0xffff  }
0x6c: {  	v23 =	vand.u32 $0x8, v22  }
0x6d: {  	v50 =	vand.u32 $0x7, v22;
	v12 =	vor.u32 v12, v23  }
0x6e: {  	v12 =	vor.u32 v50, v12;
	_ =	sdelay $0x4  }
0x6f: {  	v12 =	vld.idx.msk [tilespmem:v12+s16+$0x0], $0xffff;
	_ =	sdelay $0x1  }
0x70: {  	v24 =	vld [tilespmem:s29+$0x10320];
	v11 =	vor.u32 v11, v23  }
0x71: {  	v13 =	vor.u32 v13, v23;
	v15 =	vor.u32 v15, v23;
	v11 =	vor.u32 v50, v11  }
0x72: {  	v16 =	vor.u32 v16, v23;
	v13 =	vor.u32 v50, v13;
	vm0 =	vlt.f32 v21, v9  }
0x73: {  	v15 =	vor.u32 v50, v15;
	v21 =	vsel vm0, $0x1, v1;
	vm14 =	vlt.f32 v12, v9  }
0x74: {  	v20 =	vld.idx.msk [tilespmem:v20+s16+$0x0], $0xffff;
	v16 =	vor.u32 v50, v16;
	v52 =	vadd.s32 v21, v17;
	v53 =	vsel vm14, $0x1, v1  }
0x75: {  	v51 =	vld.idx.msk [tilespmem:v19+s16+$0x0], $0xffff;
	v54 =	vshll.u32 v24, $0x4;
	v12 =	vadd.s32 v53, v52  }
0x76: {  	v11 =	vld.idx.msk [tilespmem:v11+s16+$0x0], $0xffff;
	v12 =	vadd.s32 v12, v54  }
0x77: {  	v13 =	vld.idx.msk [tilespmem:v13+s16+$0x0], $0xffff;
	vm15 =	vlt.s32 v12, $0xF423F  }
0x78: {  	v15 =	vld.idx.msk [tilespmem:v15+s16+$0x0], $0xffff;
	v12 =	vnsel vm15, $0xF423F, v12  }
0x79: {  	v16 =	vld.idx.msk [tilespmem:v16+s16+$0x0], $0xffff;
	[tilespmem:s29+$0x13840] =	vst v12  }
0x7a: {  	v12 =	vld [tilespmem:s26+$0x10320];
	_ =	sdelay $0x1  }
0x7b: {  	vm4 =	vlt.f32 v18, v7  }
0x7c: {  	v55 =	vsel vm4, $0x1, v1;
	vm5 =	vlt.f32 v13, v7  }
0x7d: {  	v56 =	vadd.s32 v55, v14;
	v13 =	vsel vm5, $0x1, v1  }
0x7e: {  	v7 =	vadd.s32 v13, v56;
	v12 =	vshll.u32 v12, $0x4  }
0x7f: {  	v7 =	vadd.s32 v7, v12  }
0x80: {  	vm6 =	vlt.s32 v7, $0xF423F  }
0x81: {  	v7 =	vnsel vm6, $0xF423F, v7  }
0x82: {  	[tilespmem:s26+$0x13840] =	vst v7  }
0x83: {  	v7 =	vld [tilespmem:s28+$0x10320];
	_ =	sdelay $0x1  }
0x84: {  	vm7 =	vlt.f32 v20, v5  }
0x85: {  	v57 =	vsel vm7, $0x1, v1;
	vm8 =	vlt.f32 v15, v5  }
0x86: {  	v58 =	vadd.s32 v57, v10;
	v59 =	vsel vm8, $0x1, v1  }
0x87: {  	v5 =	vadd.s32 v59, v58;
	v7 =	vshll.u32 v7, $0x4  }
0x88: {  	v5 =	vadd.s32 v5, v7  }
0x89: {  	vm9 =	vlt.s32 v5, $0xF423F  }
0x8a: {  	v5 =	vnsel vm9, $0xF423F, v5  }
0x8b: {  	[tilespmem:s28+$0x13840] =	vst v5  }
0x8c: {  	v5 =	vld [tilespmem:s25+$0x10320];
	_ =	sdelay $0x1  }
0x8d: {  	vm10 =	vlt.f32 v51, v4  }
0x8e: {  	v60 =	vsel vm10, $0x1, v1;
	vm11 =	vlt.f32 v16, v4  }
0x8f: {  	v61 =	vadd.s32 v60, v8;
	v62 =	vsel vm11, $0x1, v1  }
0x90: {  	v4 =	vadd.s32 v62, v61;
	v5 =	vshll.u32 v5, $0x4  }
0x91: {  	v4 =	vadd.s32 v4, v5  }
0x92: {  	vm12 =	vlt.s32 v4, $0xF423F  }
0x93: {  	v4 =	vnsel vm12, $0xF423F, v4  }
0x94: {  	[tilespmem:s25+$0x13840] =	vst v4  }
0x95: {  	v4 =	vld [tilespmem:s24+$0x10320];
	_ =	sdelay $0x1  }
0x96: {  	vm13 =	vlt.f32 v6, v2  }
0x97: {  	s23 =	sadd.s32 $0x1, s23;
	v63 =	vsel vm13, $0x1, v1;
	vm14 =	vlt.f32 v11, v2  }
0x98: {  	p1 =	sne.s32 s23, $0xA;
	v2 =	vadd.s32 v63, v3;
	v3 =	vsel vm14, $0x1, v1  }
.Ltmp6:
0x99: {  	v2 =	vadd.s32 v3, v2;
	v3 =	vshll.u32 v4, $0x4;
	(pc) =	sbr.rel @p1 .LBB2_7-.Ltmp6, $4  }
0x9a: {  	v2 =	vadd.s32 v2, v3  }
0x9b: {  	vm15 =	vlt.s32 v2, $0xF423F  }
0x9c: {  	v2 =	vnsel vm15, $0xF423F, v2  }
0x9d: {  	[tilespmem:s24+$0x13840] =	vst v2  }
0x9e: {  	[tilespmem:s19], [sflag:$0x1] =	stream.indirect.gather [hbm4b:s4+s14], $0x10, s18, s14, $0xb8;
	[tilespmem:$0x16D60] =	vst v63  }
0x9f: {  	s2 =	smul.u32 $0x640, s21;
	_ =	swait.ge [sflag:s17], $0x3200  }
0xa0: {  	s21 =	sadd.s32 $0x1, s21;
	[sflag:s17] =	ssyncset.done $0x0  }
0xa1: {  	p1 =	slt.u32 s21, s9;
	s2 =	sadd.s32 s7, s2;
	[sflag:s17] =	ssyncadd.s32 $0xFFFFCE00  }
0xa2: {  	[hbm4b:s2+s5] =	stream.linear.scatter [tilespmem:s19], [sflag:$0x2], $0x3200, $0x38;
	[tilespmem:$0x16D60] =	vst v63  }
.Ltmp7:
0xa3: {  	_ = 	snop;
	(pc) =	sbr.rel @p1 .LBB2_2-.Ltmp7, $4  }
.Ltmp8:
0xa4: {  	_ = 	snop;
	(pc) =	sbr.rel @!p1 .LBB2_11-.Ltmp8, $4  }
0xa5: {  	_ =	swait.ge [sflag:s11], $0x3200  }
0xa6: {  	[sflag:s11] =	ssyncset.done $0x0  }
0xa7: {  	[sflag:s11] =	ssyncadd.s32 $0xFFFFCE00  }
0xa8: {  	_ = 	snop  }
.LBB2_12:
0xa9: {  	_ =	sfence.sel $0x180000  }
0xaa: {  	[bflag:$0x0] =	sbarrier.arrive $0xFFFF  }
0xab: {  	_ =	strace $0x90000047  }
0xac: {  	[bflag:$0x2] =	sbarrier.arrive $0xFFFF  }
0xad: {  	p0 =	sne.s32 s0, $0x0;
	s0 =	rddreg [dreg:$0x3]  }
0xae: {  	s0 =	sadd.s32 @!p0 $0x100000, s0  }
0xaf: {  	[sflag:s0] =	ssyncadd.tile.s32 @!p0 $0x1;
	_ =	shalt  }
.Lfunc_end2:
_tile_overlayer_lowered:
.L_overlay_start_2:
0xb0: {  	(tag) =	ssettag $0x2  }
0xb1: {  	s0 =	rddreg [dreg:$0x0];
	s2 =	stileid.u32  }
0xb2: {  	s1 =	rddreg [dreg:$0x1];
	p0 =	sne.s32 s2, $0x0  }
0xb3: {  	s3 =	rddreg [dreg:$0x2];
	[bflag:$0x3] =	sbarrier.arrive $0xFFFF;
	s2 =	simm.s32 @!p0 $0x1C02  }
0xb4: {  	[timem:s3], [sflag:s2] =	dma.local @!p0 [hbm:s0], s1  }
0xb5: {  	s0 =	simm.s32 @!p0 $0x2  }
0xb6: {  	_ =	swait.ge @!p0 [sflag:s0], s1  }
0xb7: {  	s1 =	ssub.s32 @!p0 $0x0, s1;
	[sflag:s0] =	ssyncset.done @!p0 $0x0  }
0xb8: {  	[sflag:s0] =	ssyncadd.s32 @!p0 s1  }
0xb9: {  	[bflag:$0x3] =	sbarrier.arrive $0xFFFF  }
0xba: {  	_ =	shalt  }

// kernel: sparse-core-data-format-call.cloned.1.call-start
scs
called_computation_lowered:
.L_overlay_start_0:
0x0: {  	s2 =	sld [smem:$0x3FD9]  }
0x1: {  	s3 =	sld [smem:$0x3FFE];
	_ =	sdelay $0x1  }
0x2: {  	s1 =	srdreg.scid  }
0x3: {  	s0 =	sand.u32 $0x1, s1  }
0x4: {  	s18 =	sshll.u32 s0, $0xA;
	s2 =	sadd.s32 s3, s2  }
0x5: {  	s2 =	sadd.s32 s2, s18  }
0x6: {  	[smem:$0x3FC2] =	sst s2  }
0x7: {  	_ = 	snop  }
0x8: {  	s2 =	sld [smem:$0x3FD0];
	(tm) =	ssettm $0x1  }
0x9: {  	s19 =	sld [smem:$0x3FFB];
	_ =	sdelay $0x3  }
0xa: {  	_ =	strace s19  }
0xb: {  	s3 =	sld [smem:$0x3FFC];
	_ =	sdelay $0x3  }
0xc: {  	_ =	strace s3  }
0xd: {  	s3 =	sld [smem:$0x3FFD];
	_ =	sdelay $0x3  }
0xe: {  	_ =	strace s3  }
0xf: {  	_ =	strace $0x8FFFFFFF  }
0x10: {  	s20 =	sld [smem:$0x3FDB];
	_ =	sdelay $0x1  }
0x11: {  	s4 =	simm.s32 $_scs_section_size  }
0x12: {  	s5 =	simm.s32 $_size__tile_overlayer_lowered;
	s6 =	simm.s32 $_tile_overlayer_lowered  }
0x13: {  	s23 =	simm.s32 $0x1BFF;
	s22 =	sshll.u32 s6, $0x1;
	s3 =	sadd.s32 s4, s20  }
0x14: {  	s7 =	simm.s32 $0x0;
	s21 =	sshll.u32 s5, $0x1;
	s5 =	sadd.s32 s22, s3  }
0x15: {  	[timem:s7], [sflag:s23] =	dma.local [hbm:s5], s21  }
0x16: {  	_ =	swait.ge [sflag:s23], s21  }
0x17: {  	s4 =	ssub.s32 $0x0, s21;
	[sflag:s23] =	ssyncset.done $0x0  }
0x18: {  	[sflag:s23] =	ssyncadd.s32 s4;
	_ =	sdelay $0x1  }
0x19: {  	s24 =	simm.s32 $0x1B8B  }
0x1a: {  	_ =	swait.ge [sflag:s24], $0x1  }
0x1b: {  	[sflag:s24] =	ssyncset.done $0x0  }
0x1c: {  	s26 =	simm.s32 $0x1B8E;
	s25 =	sld [smem:$0x3FFE];
	[sflag:s24] =	ssyncadd.s32 $0xFFFFFFFF  }
0x1d: {  	s27 =	simm.s32 $execute0_lowered;
	[smem:$0x3FD2] =	sst s26  }
0x1e: {  	s5 =	sshll.u32 s27, $0x1;
	_ =	strace $0x80000049;
	[dreg:$0x1] =	wrdreg $0xFFFFFFFF  }
0x1f: {  	s28 =	simm.s32 $_size_execute0_lowered;
	s3 =	sadd.s32 s3, s5;
	[dreg:$0x0] =	wrdreg $0x0  }
0x20: {  	s5 =	sshll.u32 s28, $0x1;
	[dreg:$0x2] =	wrdreg s3  }
0x21: {  	[dreg:$0x3] =	wrdreg s5  }
0x22: {  	[dreg:$0x4] =	wrdreg $0xC0  }
0x23: {  	_ =	task [dreg:s7], $0x5FFFF  }
0x24: {  	[dreg:$0x1] =	wrdreg $0xFFFFFFFF  }
0x25: {  	[dreg:$0x0] =	wrdreg $0x60  }
0x26: {  	[dreg:$0x2] =	wrdreg s25  }
0x27: {  	[dreg:$0x3] =	wrdreg s2  }
0x28: {  	[dreg:$0x4] =	wrdreg $0x9  }
0x29: {  	_ =	task.clear_ibuf [dreg:s7], $0x5FFFF;
	_ =	strace $0x90000049  }
0x2a: {  	s29 =	simm.s32 $0x9;
	_ =	strace $0x8000004B  }
0x2b: {  	_ =	swait.ge [sflag:s29], $0x1  }
0x2c: {  	[sflag:s29] =	ssyncadd.s32 $0xFFFFFFFF  }
0x2d: {  	_ =	strace $0x9000004B  }
0x2e: {  	_ =	sfence  }
0x2f: {  	s30 =	sld [smem:$0x0];
	_ =	sdelay $0x2  }
0x30: {  	s31 =	sshll.u32 s1, $0xD;
	s1 =	sshrl.u32 s1, $0x2  }
0x31: {  	s3 =	sand.u32 $0x4000, s31;
	s1 =	sadd.s32 s1, s30  }
0x32: {  	s0 =	sor.u32 s3, s0;
	s1 =	sshll.u32 s1, $0x11  }
0x33: {  	s0 =	sor.u32 s1, s0  }
0x34: {  	s0 =	sadd.s32 $0x8F2B, s0  }
0x35: {  	[sflag:s0] =	ssyncadd.remote.s32 $0x1  }
0x36: {  	_ =	sfence.sel $0xFFFF  }
0x37: {  	[dreg:$0x0] =	wrdreg $0xFFFFFFFF;
	(pc) =	sbr.abs _section_cstart, $3  }
0x38: {  	[dreg:$0x1] =	wrdreg $0xFFFFFFFF  }
0x39: {  	_ =	task.clear_ibuf [dreg:s7], $0x2FFFF;
	_ =	strace $0x9FFFFFFF  }
0x3a: {  	(tm) =	ssettm $0x7FFFFFFF  }
0x3b: {  	_ =	shalt  }
tec
execute0_lowered:
.L_overlay_start_1:
0x0: {  	(tag) =	ssettag $0x1  }
0x1: {  	s4 =	rddreg [dreg:$0x0]  }
0x2: {  	s0 =	srdreg.scid;
	s2 =	rddreg [dreg:$0x1]  }
0x3: {  	s1 =	stileid.u32;
	s5 =	simm.s32 $0x1;
	s0 =	sshll.u32 s0, $0x4  }
0x4: {  	s7 =	simm.s32 $0x2;
	s11 =	simm.s32 $0x0;
	s3 =	sand.u32 $0x10, s0  }
.Ltmp0:
0x5: {  	p0 =	por $0x0, $0x0;
	s3 =	sor.u32 s1, s3;
	(pc) =	sbr.rel .LBB1_1-.Ltmp0, $4  }
0x6: {  	s8 =	simm.s32 $0x7A1400;
	s10 =	simm.s32 $0x0;
	s3 =	sshll.u32 s3, $0x7  }
0x7: {  	s0 =	rddreg [dreg:$0x2];
	_ =	strace $0x8000004A;
	s6 =	ssub.s32 $0xF4200, s3  }
0x8: {  	s4 =	sadd.s32 $0x1EA600, s4;
	[sflag:s5] =	ssyncpa.u1 $0x0;
	s6 =	sshrl.u32 s6, $0xC  }
0x9: {  	[sflag:s7] =	ssyncpa.u1 $0x0;
	s9 =	smov.u32 s3;
	s7 =	sadd.s32 $0x2, s6  }
.LBB1_5:
0xa: {  	s13 =	sadd.s32 $0x1000, s9  }
0xb: {  	p2 =	sgt.s32 s13, $0xF423F  }
0xc: {  	s13 =	smov.u32 @p2 s3;
	p2 =	sne.s32 s10, s7  }
.Ltmp1:
0xd: {  	p1 =	slt.u32 s10, $0x2;
	(pc) =	sbr.rel @!p2 .LBB1_6-.Ltmp1, $4  }
0xe: {  	s12 =	simm.s32 @!p1 $0x2  }
0xf: {  	s14 =	sadd.s32 $0x1, s10;
	_ =	swait.ge @!p1 [sflag:s12], $0x800  }
0x10: {  	s11 =	smov.u32 s9;
	p0 =	por !p0, !p0;
	[sflag:s12] =	ssyncset.done @!p1 $0x0  }
0x11: {  	s10 =	smov.u32 s14;
	s9 =	smov.u32 s13;
	[sflag:s12] =	ssyncadd.s32 @!p1 $0xFFFFF800  }
.LBB1_1:
0x12: {  	p1 =	sgt.u32 s10, s6  }
0x13: {  	s13 =	smov.u32 s9;
	p2 =	sgt.s32 @!p1 s9, $0xF41C0  }
0x14: {  	s12 =	sand.u32 @!p1 $0x1FFFFFF, s9;
	s14 =	sshra.s32 @!p1 s9, $0x1F;
	p2 =	por !p2, p1  }
0x15: {  	s15 =	smulhi.u32 @!p1 $0x218DEF5, s12;
	s14 =	sand.u32 @!p1 s14, s9;
	s13 =	simm.s32 @p2 $0xF41C0  }
0x16: {  	s13 =	ssub.s32 @!p1 s13, s14  }
0x17: {  	s14 =	sshrl.u32 @!p1 s15, $0xD;
	s13 =	sadd.s32 @!p1 $0xFFF0BE40, s13  }
0x18: {  	s15 =	sxor.u32 @!p1 $0xFFFFFFFF, s10;
	s14 =	smul.u32 @!p1 $0xF4240, s14;
	s16 =	sshll.u32 @!p1 s13, $0x6  }
0x19: {  	s15 =	sshll.u32 @!p1 s15, $0xB;
	p2 =	sgt.s32 @!p1 s13, $0x7F;
	s13 =	ssub.s32 @!p1 $0x2000, s16  }
0x1a: {  	s12 =	ssub.s32 @!p1 s12, s14;
	p2 =	por !p2, p1;
	s14 =	sand.u32 @!p1 $0x800, s15  }
0x1b: {  	s15 =	simm.s32 @!p1 $0x10;
	s13 =	sshrl.u32 @!p1 s13, $0x2;
	s12 =	sshll.u32 @!p1 s12, $0x4  }
0x1c: {  	s16 =	simm.s32 @!p1 $0x80;
	s13 =	simm.s32 @!p2 $0x0;
	s12 =	sadd.s32 @!p1 s4, s12  }
0x1d: {  	[tilespmem:s14], [sflag:$0x1] =	stream.strided.gather @!p1 [hbm4b:s12+s15], s13, s16, s15, $0x38;
	[tilespmem:$0x2020] =	vst v63  }
0x1e: {  	p1 =	seq.s32 s10, $0x0  }
0x1f: {  	p2 =	sge.u32 @!p1 s10, s7  }
0x20: {  	p1 =	por p1, p2  }
.Ltmp2:
0x21: {  	_ = 	snop;
	(pc) =	sbr.rel @p1 .LBB1_5-.Ltmp2, $1  }
0x22: {  	_ =	sdelay $0x3  }
0x23: {  	p1 =	sgt.s32 s11, $0xF41C0;
	s12 =	smov.u32 s11;
	s13 =	sshra.s32 s11, $0x1F  }
0x24: {  	s12 =	simm.s32 @!p1 $0xF41C0;
	s13 =	sand.u32 s13, s11  }
0x25: {  	s12 =	ssub.s32 s12, s13  }
0x26: {  	s12 =	sadd.s32 $0xFFF0BE40, s12  }
0x27: {  	s29 =	sshll.u32 s12, $0x6  }
0x28: {  	s13 =	ssub.s32 $0x2000, s29  }
0x29: {  	p1 =	sgt.s32 s12, $0x7F;
	s12 =	sshrl.u32 s13, $0x2  }
0x2a: {  	s13 =	simm.s32 $0x1;
	s12 =	simm.s32 @p1 $0x0  }
0x2b: {  	s13 =	simm.s32 @!p0 $0x0;
	_ =	swait.ge [sflag:s5], s12  }
0x2c: {  	s14 =	sshll.u32 s13, $0xB;
	s12 =	ssub.s32 $0x0, s12;
	[sflag:s5] =	ssyncset.done $0x0  }
0x2d: {  	s15 =	sor.u32 $0x40, s14;
	[sflag:s5] =	ssyncadd.s32 s12  }
0x2e: {  	v1 =	vld [tilespmem:s15+$0x30]  }
0x2f: {  	s30 =	smul.u32 $0x2040, s13;
	v4 =	vld [tilespmem:s15+$0xFFFFFFD0]  }
0x30: {  	v5 =	vld [tilespmem:s15+$0xFFFFFFE0]  }
0x31: {  	s31 =	sand.u32 $0x1, s10;
	s12 =	sshrl.u32 s30, $0x2;
	v2 =	vld [tilespmem:s15+$0xFFFFFFF0]  }
0x32: {  	s13 =	smul.u32 $0x2040, s31;
	s12 =	sor.u32 $0x1007, s12;
	v3 =	vld [tilespmem:s15+$0x0]  }
0x33: {  	v0 =	vld [tilespmem:s15+$0x10];
	[tilespmem:s12+$0x0 ss:$0x81] =	vst.msk $0xffff, v1  }
0x34: {  	s13 =	sshrl.u32 s13, $0x2;
	[tilespmem:s12+$0xFFFFFFFA ss:$0x81] =	vst.msk $0xffff, v4;
	v4 =	vld [tilespmem:s15+$0x20]  }
0x35: {  	s14 =	simm.s32 $0x0;
	s13 =	sor.u32 $0x1000, s13;
	v1 =	vld [tilespmem:s15+$0xFFFFFFC0];
	[tilespmem:s12+$0xFFFFFFFB ss:$0x81] =	vst.msk $0xffff, v5;
	s15 =	sadd.s32 $0x80, s15  }
.LBB1_3:
0x36: {  	v5 =	vld [tilespmem:s15+$0x30];
	s14 =	sadd.s32 $0x8, s14;
	[tilespmem:s12+$0xFFFFFFFC ss:$0x81] =	vst.msk $0xffff, v2  }
0x37: {  	v6 =	vld [tilespmem:s15+$0xFFFFFFD0];
	p1 =	slt.u32 s14, $0x78;
	[tilespmem:s12+$0xFFFFFFFD ss:$0x81] =	vst.msk $0xffff, v3  }
0x38: {  	v7 =	vld [tilespmem:s15+$0xFFFFFFE0];
	[tilespmem:s12+$0xFFFFFFFE ss:$0x81] =	vst.msk $0xffff, v0  }
.Ltmp3:
0x39: {  	v2 =	vld [tilespmem:s15+$0xFFFFFFF0];
	[tilespmem:s12+$0xFFFFFFFF ss:$0x81] =	vst.msk $0xffff, v4;
	(pc) =	sbr.rel @p1 .LBB1_3-.Ltmp3, $4  }
0x3a: {  	v3 =	vld [tilespmem:s15+$0x0];
	[tilespmem:s12+$0xFFFFFFF9 ss:$0x81] =	vst.msk $0xffff, v1;
	s12 =	sadd.s32 $0x8, s12  }
0x3b: {  	v0 =	vld [tilespmem:s15+$0x10];
	[tilespmem:s12+$0x0 ss:$0x81] =	vst.msk $0xffff, v5  }
0x3c: {  	[tilespmem:s12+$0xFFFFFFFA ss:$0x81] =	vst.msk $0xffff, v6;
	v4 =	vld [tilespmem:s15+$0x20]  }
0x3d: {  	v1 =	vld [tilespmem:s15+$0xFFFFFFC0];
	[tilespmem:s12+$0xFFFFFFFB ss:$0x81] =	vst.msk $0xffff, v7;
	s15 =	sadd.s32 $0x80, s15  }
0x3e: {  	s14 =	sshll.u32 s11, $0x3  }
0x3f: {  	s30 =	sand.u32 $0x7F, s11;
	s14 =	sand.u32 $0xFFFFFC00, s14  }
0x40: {  	s11 =	sor.u32 s30, s14  }
0x41: {  	s15 =	smulhi.u32 $0x218D6287, s11;
	_ =	sdelay $0x1  }
0x42: {  	s14 =	smulhi.u32 $0x218D6287, s14;
	s15 =	sshrl.u32 s15, $0x11  }
0x43: {  	s15 =	smul.u32 $0xF4280, s15  }
0x44: {  	[tilespmem:s12+$0xFFFFFFFC ss:$0x81] =	vst.msk $0xffff, v2;
	s14 =	sshrl.u32 s14, $0x11  }
.Ltmp4:
0x45: {  	[tilespmem:s12+$0xFFFFFFFD ss:$0x81] =	vst.msk $0xffff, v3;
	s14 =	sand.u32 $0xF, s14;
	s11 =	ssub.s32 s11, s15;
	(pc) =	sbr.rel .LBB1_5-.Ltmp4, $4  }
0x46: {  	[tilespmem:s12+$0xFFFFFFFE ss:$0x81] =	vst.msk $0xffff, v0;
	s14 =	smul.u32 $0x1E850, s14;
	s15 =	sshrl.u32 s11, $0x3;
	s11 =	sand.u32 $0x7, s11  }
0x47: {  	[tilespmem:s12+$0xFFFFFFFF ss:$0x81] =	vst.msk $0xffff, v4;
	s15 =	sadd.s32 s2, s15;
	s11 =	sshll.u32 s11, $0x12  }
0x48: {  	[tilespmem:s12+$0xFFFFFFF9 ss:$0x81] =	vst.msk $0xffff, v1;
	s31 =	sadd.s32 s14, s15;
	s11 =	sor.u32 $0x400, s11  }
0x49: {  	[hbm4b:s31+s11] =	stream.strided.scatter [tilespmem:s13], [sflag:$0x2], $0x800, s8, s11, $0x20;
	[tilespmem:$0x2020] =	vst v63  }
.LBB1_6:
0x4a: {  	_ =	sfence.sel $0x180000  }
0x4b: {  	s2 =	simm.s32 $0x1;
	[bflag:$0x0] =	sbarrier.arrive $0xFFFF  }
0x4c: {  	s31 =	simm.s32 $0x2;
	[sflag:s2] =	ssyncpa.u1 $0x1  }
0x4d: {  	[sflag:s31] =	ssyncpa.u1 $0x1  }
0x4e: {  	p0 =	sne.s32 s1, $0x0;
	_ =	strace $0x9000004A  }
0x4f: {  	s0 =	sadd.s32 @!p0 $0x100000, s0;
	[bflag:$0x2] =	sbarrier.arrive $0xFFFF  }
0x50: {  	[sflag:s0] =	ssyncadd.tile.s32 @!p0 $0x1;
	_ =	shalt  }
.Lfunc_end1:
_tile_overlayer_lowered:
.L_overlay_start_2:
0x51: {  	(tag) =	ssettag $0x2  }
0x52: {  	s0 =	rddreg [dreg:$0x0];
	s2 =	stileid.u32  }
0x53: {  	s1 =	rddreg [dreg:$0x1];
	p0 =	sne.s32 s2, $0x0  }
0x54: {  	s3 =	rddreg [dreg:$0x2];
	[bflag:$0x3] =	sbarrier.arrive $0xFFFF;
	s2 =	simm.s32 @!p0 $0x1C01  }
0x55: {  	[timem:s3], [sflag:s2] =	dma.local @!p0 [hbm:s0], s1  }
0x56: {  	s0 =	simm.s32 @!p0 $0x1  }
0x57: {  	_ =	swait.ge @!p0 [sflag:s0], s1  }
0x58: {  	s1 =	ssub.s32 @!p0 $0x0, s1;
	[sflag:s0] =	ssyncset.done @!p0 $0x0  }
0x59: {  	[sflag:s0] =	ssyncadd.s32 @!p0 s1  }
0x5a: {  	[bflag:$0x3] =	sbarrier.arrive $0xFFFF  }
0x5b: {  	_ =	shalt  }

</sc_bundles>
